<compile_context>
chip_gen: v7x
topology: tpu7x:2x2x1
jax: 0.10.2.dev20260603
libtpu: 0.0.44.dev20260713+nightly
codegen_flags: <defaults>
</compile_context>

<pallas_src>
import jax
import jax.numpy as jnp
from jax import lax
from jax.experimental import pallas as pl
from jax.experimental.pallas import tpu as pltpu
from jax.experimental.pallas import tpu_sc as plsc

_N = 10000
_NP = 10240
_E = 320000
_D = 128
_C = 64
_NW = 32
_K = 96
_NCH = -(-_E // _NW // _K)
_EPW = _NCH * _K
_EP = _EPW * _NW
_B = 2
_RPT = _NP // 16
_DW = 16

_mesh = plsc.VectorSubcoreMesh(core_axis_name="c", subcore_axis_name="s")


def _make_sc_agg_body(compute_deg):
    def body(table, src_hbm, dst_hbm, *refs):
        if compute_deg:
            (agg_out, deg_out, src_v, *rest) = refs
            (*bufs, ones_v, ztmp_v, dacc_sh) = rest
        else:
            (agg_out, src_v, *bufs) = refs
        dst_b = bufs[0:_B]
        rows_b = bufs[_B:2 * _B]
        acc_sh = bufs[2 * _B]
        gsem = bufs[2 * _B + 1:3 * _B + 1]
        dsem = bufs[3 * _B + 1:4 * _B + 1]
        cid = lax.axis_index("c")
        sid = lax.axis_index("s")
        wid = cid * 16 + sid
        ebase = wid * _EPW

        z16 = jnp.zeros((16,), jnp.float32)
        o16 = jnp.ones((16,), jnp.float32)

        def zrow(r, carry):
            for j in range(_D // 16):
                rows_b[0][r, pl.ds(j * 16, 16)] = z16
            return carry
        lax.fori_loop(0, _K, zrow, None)

        def zacc(r, carry):
            pltpu.async_copy(
                rows_b[0].at[pl.ds(0, 64)],
                acc_sh.at[pl.ds((sid * (_RPT // 64) + r) * 64, 64)],
                gsem[0])
            return carry
        lax.fori_loop(0, _RPT // 64, zacc, None)

        def zacc_drain(r, carry):
            pltpu.make_async_copy(
                rows_b[0].at[pl.ds(0, 64)],
                acc_sh.at[pl.ds(sid * _RPT, 64)], gsem[0]).wait()
            return carry
        lax.fori_loop(0, _RPT // 64, zacc_drain, None)

        if compute_deg:
            for j in range(_K // 16):
                ones_v[pl.ds(j * 16, 16)] = o16
            if _K % 16:
                ones_v[pl.ds(_K - 16, 16)] = o16

            def zdeg(r, carry):
                ztmp_v[pl.ds(r * 16, 16)] = z16
                return carry
            lax.fori_loop(0, _RPT // 16, zdeg, None)
            pltpu.sync_copy(ztmp_v, dacc_sh.at[pl.ds(sid * _RPT, _RPT)])

        pltpu.sync_copy(src_hbm.at[pl.ds(ebase, _EPW)], src_v)

        plsc.subcore_barrier()

        def start(c, b):
            pltpu.async_copy(dst_hbm.at[pl.ds(ebase + c * _K, _K)], dst_b[b],
                             dsem[b])
            pltpu.async_copy(table.at[src_v.at[pl.ds(c * _K, _K)]], rows_b[b],
                             gsem[b])

        def process(c, b):
            pltpu.make_async_copy(dst_hbm.at[pl.ds(0, _K)], dst_b[b],
                                  dsem[b]).wait()
            pltpu.make_async_copy(table.at[pl.ds(0, _K)], rows_b[b],
                                  gsem[b]).wait()
            pltpu.sync_copy(rows_b[b], acc_sh.at[dst_b[b]], add=True)
            if compute_deg:
                pltpu.sync_copy(ones_v, dacc_sh.at[dst_b[b]], add=True)

        start(0, 0)
        start(1, 1)

        def pipe(j, carry):
            for b in range(_B):
                c = _B * j + b
                fb = (b + 2) % _B

                @pl.when(c < _NCH)
                def _():
                    process(c, b)

                    @pl.when(c + 2 < _NCH)
                    def _():
                        start(c + 2, fb)
            return carry
        lax.fori_loop(0, (_NCH + _B - 1) // _B, pipe, None)

        plsc.subcore_barrier()

        pltpu.sync_copy(acc_sh.at[pl.ds(sid * _RPT, _RPT)],
                        agg_out.at[cid, pl.ds(sid * _RPT, _RPT)])
        if compute_deg:
            pltpu.sync_copy(dacc_sh.at[pl.ds(sid * _RPT, _RPT)],
                            deg_out.at[cid, pl.ds(sid * _RPT, _RPT)])
    return body


def _make_sc_agg(compute_deg):
    out_type = jax.ShapeDtypeStruct((2, _NP, _D), jnp.float32)
    if compute_deg:
        out_type = (out_type, jax.ShapeDtypeStruct((2, _NP), jnp.float32))
    scratch = (
        [pltpu.VMEM((_EPW,), jnp.int32)]
        + [pltpu.VMEM((_K,), jnp.int32)] * _B
        + [pltpu.VMEM((_K, _D), jnp.float32)] * _B
        + [pltpu.VMEM_SHARED((_NP, _D), jnp.float32)]
        + [pltpu.SemaphoreType.DMA] * (2 * _B)
    )
    if compute_deg:
        scratch += [
            pltpu.VMEM((_K,), jnp.float32),
            pltpu.VMEM((_RPT,), jnp.float32),
            pltpu.VMEM_SHARED((_NP,), jnp.float32),
        ]
    return pl.kernel(
        _make_sc_agg_body(compute_deg),
        out_type=out_type,
        mesh=_mesh,
        scratch_types=scratch,
    )


_sc_agg1 = _make_sc_agg(True)
_sc_agg2 = _make_sc_agg(False)


_BN = 1024
_G = _NP // _BN


def _dense1_body(aggp, degp, x, w1lt, w1rt, b1, h_out):
    agg = aggp[0] + aggp[1]
    deg = degp[0] + degp[1]
    recip = 1.0 / jnp.maximum(deg, 1.0)
    mean = agg * recip[:, None]
    acc = jnp.dot(mean, w1lt[...], precision=lax.Precision.HIGHEST,
                  preferred_element_type=jnp.float32)
    acc += jnp.dot(x[...], w1rt[...], precision=lax.Precision.HIGHEST,
                   preferred_element_type=jnp.float32)
    h_out[...] = jnp.maximum(acc + b1[...], 0.0)


def _dense1(aggp, degp, x, w1lt, w1rt, b1):
    return pl.pallas_call(
        _dense1_body,
        grid=(_G,),
        in_specs=[
            pl.BlockSpec((2, _BN, _D), lambda i: (0, i, 0)),
            pl.BlockSpec((2, _BN), lambda i: (0, i)),
            pl.BlockSpec((_BN, _D), lambda i: (i, 0)),
            pl.BlockSpec((_D, _D), lambda i: (0, 0)),
            pl.BlockSpec((_D, _D), lambda i: (0, 0)),
            pl.BlockSpec((1, _D), lambda i: (0, 0)),
        ],
        out_specs=pl.BlockSpec((_BN, _D), lambda i: (i, 0)),
        out_shape=jax.ShapeDtypeStruct((_NP, _D), jnp.float32),
    )(aggp, degp, x, w1lt, w1rt, b1)


def _dense2_body(aggp, degp, h, w2lt, w2rt, b2, wlint, blin, out):
    agg = aggp[0] + aggp[1]
    deg = degp[0] + degp[1]
    recip = 1.0 / jnp.maximum(deg, 1.0)
    mean = agg * recip[:, None]
    t = jnp.dot(mean, w2lt[...], precision=lax.Precision.HIGHEST,
                preferred_element_type=jnp.float32)
    t += jnp.dot(h[...], w2rt[...], precision=lax.Precision.HIGHEST,
                 preferred_element_type=jnp.float32)
    t += b2[...]
    logits = jnp.dot(t, wlint[...], precision=lax.Precision.HIGHEST,
                     preferred_element_type=jnp.float32) + blin[...]
    m = jnp.max(logits, axis=1, keepdims=True)
    lse = jnp.log(jnp.sum(jnp.exp(logits - m), axis=1, keepdims=True)) + m
    out[...] = logits - lse


def _dense2(aggp, degp, h, w2lt, w2rt, b2, wlint, blin):
    return pl.pallas_call(
        _dense2_body,
        grid=(_G,),
        in_specs=[
            pl.BlockSpec((2, _BN, _D), lambda i: (0, i, 0)),
            pl.BlockSpec((2, _BN), lambda i: (0, i)),
            pl.BlockSpec((_BN, _D), lambda i: (i, 0)),
            pl.BlockSpec((_D, _D), lambda i: (0, 0)),
            pl.BlockSpec((_D, _D), lambda i: (0, 0)),
            pl.BlockSpec((1, _D), lambda i: (0, 0)),
            pl.BlockSpec((_D, _C), lambda i: (0, 0)),
            pl.BlockSpec((1, _C), lambda i: (0, 0)),
        ],
        out_specs=pl.BlockSpec((_BN, _C), lambda i: (i, 0)),
        out_shape=jax.ShapeDtypeStruct((_NP, _C), jnp.float32),
    )(aggp, degp, h, w2lt, w2rt, b2, wlint, blin)


def kernel(x, edge_index, W1l, b1l, W1r, W2l, b2l, W2r, Wlin, blin):
    pad = _EP - _E
    src = jnp.concatenate([edge_index[0], jnp.zeros((pad,), jnp.int32)])
    padrows = _N + (jnp.arange(pad, dtype=jnp.int32) % (_NP - _N))
    dst = jnp.concatenate([edge_index[1], padrows])
    xpad = jnp.pad(x, ((0, _NP - _N), (0, 0)))
    agg1p, degp = _sc_agg1(x, src, dst)
    h = _dense1(agg1p, degp, xpad, W1l.T, W1r.T, b1l.reshape(1, _D))
    agg2p = _sc_agg2(h, src, dst)
    out = _dense2(agg2p, degp, h, W2l.T, W2r.T, b2l.reshape(1, _D),
                  Wlin.T, blin.reshape(1, _C))
    return (out[:_N], edge_index)

# --- scband reference (transcript-rebuilt; emitter-appended) ---
"""Pipeline reference for scband-sageconvolution-lin-72911364817008 (READ-ONLY COPY).

The authoritative reference and input builder live on the scoring server;
editing this copy changes nothing except your own understanding.
"""

import jax, jax.numpy as jnp
import numpy as np

N = 10000
E = 320000
D = 128
H = 128
C = 64


def setup_inputs(seed: int = 0) -> dict:
    key = jax.random.key(seed)
    ks = jax.random.split(key, 10)
    x = jax.random.normal(ks[0], (N, D), dtype=jnp.float32)
    edge_index = jax.random.randint(ks[1], (2, E), 0, N, dtype=jnp.int32)
    W1l = jax.random.normal(ks[2], (H, D), dtype=jnp.float32) * 0.05
    b1l = jnp.zeros((H,), dtype=jnp.float32)
    W1r = jax.random.normal(ks[3], (H, D), dtype=jnp.float32) * 0.05
    W2l = jax.random.normal(ks[4], (H, H), dtype=jnp.float32) * 0.05
    b2l = jnp.zeros((H,), dtype=jnp.float32)
    W2r = jax.random.normal(ks[5], (H, H), dtype=jnp.float32) * 0.05
    Wlin = jax.random.normal(ks[6], (C, H), dtype=jnp.float32) * 0.05
    blin = jnp.zeros((C,), dtype=jnp.float32)
    return {"x": x, "edge_index": edge_index, "W1l": W1l, "b1l": b1l, "W1r": W1r,
            "W2l": W2l, "b2l": b2l, "W2r": W2r, "Wlin": Wlin, "blin": blin}


def _sage_conv(x, edge_index, Wl, bl, Wr):
    # PyG SAGEConv (mean aggr): out = lin_l(mean_{j->i} x_j) + lin_r(x_i)
    src = edge_index[0]
    dst = edge_index[1]
    n = x.shape[0]
    msgs = jnp.take(x, src, axis=0)
    agg = jax.ops.segment_sum(msgs, dst, num_segments=n)
    deg = jax.ops.segment_sum(jnp.ones((src.shape[0],), dtype=x.dtype), dst, num_segments=n)
    mean = agg / jnp.clip(deg, 1.0)[:, None]
    return mean @ Wl.T + bl + x @ Wr.T


def reference(x, edge_index, W1l, b1l, W1r, W2l, b2l, W2r, Wlin, blin):
    h = jax.nn.relu(_sage_conv(x, edge_index, W1l, b1l, W1r))
    # F.dropout with training flag: identity in eval / deterministic reference
    h = _sage_conv(h, edge_index, W2l, b2l, W2r)
    logits = h @ Wlin.T + blin
    out = jax.nn.log_softmax(logits, axis=1)
    return (out, edge_index)

if __name__ == "__main__":
    import jax
    _d = setup_inputs()
    print(jax.jit(kernel)(*tuple(_d.values())))

</pallas_src>

<mosaic_0001>
#map = affine_map<(d0, d1) -> (0, 0)>
#map1 = affine_map<(d0, d1) -> (0)>
#map2 = affine_map<(d0, d1) -> (0, 0, 0)>
module attributes {stable_mosaic.version = 14 : i64} {
  func.func @body(%arg0: i32, %arg1: i32, %arg2: memref<10000x128xf32, #tpu.memory_space<hbm>>, %arg3: memref<322560xi32, #tpu.memory_space<hbm>>, %arg4: memref<322560xi32, #tpu.memory_space<hbm>>, %arg5: memref<2x10240x128xf32, #tpu.memory_space<hbm>>, %arg6: memref<2x10240xf32, #tpu.memory_space<hbm>>, %arg7: memref<10080xi32, #tpu.memory_space<vmem>>, %arg8: memref<96xi32, #tpu.memory_space<vmem>>, %arg9: memref<96xi32, #tpu.memory_space<vmem>>, %arg10: memref<96x128xf32, #tpu.memory_space<vmem>>, %arg11: memref<96x128xf32, #tpu.memory_space<vmem>>, %arg12: memref<10240x128xf32, #tpu.memory_space<vmem_shared>>, %arg13: memref<!tpu.dma_semaphore, #tpu.memory_space<semaphore_mem>>, %arg14: memref<!tpu.dma_semaphore, #tpu.memory_space<semaphore_mem>>, %arg15: memref<!tpu.dma_semaphore, #tpu.memory_space<semaphore_mem>>, %arg16: memref<!tpu.dma_semaphore, #tpu.memory_space<semaphore_mem>>, %arg17: memref<96xf32, #tpu.memory_space<vmem>>, %arg18: memref<640xf32, #tpu.memory_space<vmem>>, %arg19: memref<10240xf32, #tpu.memory_space<vmem_shared>>) attributes {dimension_semantics = [#tpu.dimension_semantics<core_parallel>, #tpu.dimension_semantics<subcore_parallel>], iteration_bounds = array<i64: 2, 16>, scalar_prefetch = 0 : i64, scratch_operands = 13 : i64, tpu.core_type = #tpu.core_type<sc_vector_subcore>, window_params = [{transform_indices = #map}, {transform_indices = #map1}, {transform_indices = #map1}, {transform_indices = #map2}, {transform_indices = #map}]} {
    %mul3A = arith.constant 16 : i32
    %mul3A_0 = arith.muli %arg0, %mul3A : i32
    %add3A = arith.addi %mul3A_0, %arg1 : i32
    %mul3A_1 = arith.constant 10080 : i32
    %mul3A_2 = arith.muli %add3A, %mul3A_1 : i32
    %broadcast_in_dim3A = arith.constant 0.000000e+00 : f32
    %broadcast_in_dim3A_3 = vector.broadcast %broadcast_in_dim3A : f32 to vector<16xf32>
    %broadcast_in_dim3A_4 = arith.constant 1.000000e+00 : f32
    %broadcast_in_dim3A_5 = vector.broadcast %broadcast_in_dim3A_4 : f32 to vector<16xf32>
    %scan3A = arith.constant 0 : i32
    %scan3A_6 = arith.constant 96 : i32
    %scan3A_7 = arith.addi %scan3A, %scan3A_6 : i32
    %scan3A_8 = arith.constant 1 : i32
    scf.for %scan3A_81 = %scan3A to %scan3A_7 step %scan3A_8  : i32 {
      %swap3A_82 = arith.index_cast %scan3A_81 : i32 to index
      %swap3A_83 = arith.constant 0 : index
      %swap3A_84 = tpu.vector_load %arg10[%swap3A_82, %swap3A_83] {strides = array<i32>} : memref<96x128xf32, #tpu.memory_space<vmem>>, vector<1x16xf32>,
      %swap3A_85 = vector.shape_cast %swap3A_84 : vector<1x16xf32> to vector<16xf32>
      %swap3A_86 = vector.shape_cast %broadcast_in_dim3A_3 : vector<16xf32> to vector<1x16xf32>
      tpu.vector_store %arg10[%swap3A_82, %swap3A_83], %swap3A_86 {strides = array<i32>} : memref<96x128xf32, #tpu.memory_space<vmem>>, vector<1x16xf32>,
      %swap3A_87 = arith.index_cast %scan3A_81 : i32 to index
      %swap3A_88 = arith.constant 16 : index
      %swap3A_89 = tpu.vector_load %arg10[%swap3A_87, %swap3A_88] {strides = array<i32>} : memref<96x128xf32, #tpu.memory_space<vmem>>, vector<1x16xf32>,
      %swap3A_90 = vector.shape_cast %swap3A_89 : vector<1x16xf32> to vector<16xf32>
      %swap3A_91 = vector.shape_cast %broadcast_in_dim3A_3 : vector<16xf32> to vector<1x16xf32>
      tpu.vector_store %arg10[%swap3A_87, %swap3A_88], %swap3A_91 {strides = array<i32>} : memref<96x128xf32, #tpu.memory_space<vmem>>, vector<1x16xf32>,
      %swap3A_92 = arith.index_cast %scan3A_81 : i32 to index
      %swap3A_93 = arith.constant 32 : index
      %swap3A_94 = tpu.vector_load %arg10[%swap3A_92, %swap3A_93] {strides = array<i32>} : memref<96x128xf32, #tpu.memory_space<vmem>>, vector<1x16xf32>,
      %swap3A_95 = vector.shape_cast %swap3A_94 : vector<1x16xf32> to vector<16xf32>
      %swap3A_96 = vector.shape_cast %broadcast_in_dim3A_3 : vector<16xf32> to vector<1x16xf32>
      tpu.vector_store %arg10[%swap3A_92, %swap3A_93], %swap3A_96 {strides = array<i32>} : memref<96x128xf32, #tpu.memory_space<vmem>>, vector<1x16xf32>,
      %swap3A_97 = arith.index_cast %scan3A_81 : i32 to index
      %swap3A_98 = arith.constant 48 : index
      %swap3A_99 = tpu.vector_load %arg10[%swap3A_97, %swap3A_98] {strides = array<i32>} : memref<96x128xf32, #tpu.memory_space<vmem>>, vector<1x16xf32>,
      %swap3A_100 = vector.shape_cast %swap3A_99 : vector<1x16xf32> to vector<16xf32>
      %swap3A_101 = vector.shape_cast %broadcast_in_dim3A_3 : vector<16xf32> to vector<1x16xf32>
      tpu.vector_store %arg10[%swap3A_97, %swap3A_98], %swap3A_101 {strides = array<i32>} : memref<96x128xf32, #tpu.memory_space<vmem>>, vector<1x16xf32>,
      %swap3A_102 = arith.index_cast %scan3A_81 : i32 to index
      %swap3A_103 = arith.constant 64 : index
      %swap3A_104 = tpu.vector_load %arg10[%swap3A_102, %swap3A_103] {strides = array<i32>} : memref<96x128xf32, #tpu.memory_space<vmem>>, vector<1x16xf32>,
      %swap3A_105 = vector.shape_cast %swap3A_104 : vector<1x16xf32> to vector<16xf32>
      %swap3A_106 = vector.shape_cast %broadcast_in_dim3A_3 : vector<16xf32> to vector<1x16xf32>
      tpu.vector_store %arg10[%swap3A_102, %swap3A_103], %swap3A_106 {strides = array<i32>} : memref<96x128xf32, #tpu.memory_space<vmem>>, vector<1x16xf32>,
      %swap3A_107 = arith.index_cast %scan3A_81 : i32 to index
      %swap3A_108 = arith.constant 80 : index
      %swap3A_109 = tpu.vector_load %arg10[%swap3A_107, %swap3A_108] {strides = array<i32>} : memref<96x128xf32, #tpu.memory_space<vmem>>, vector<1x16xf32>,
      %swap3A_110 = vector.shape_cast %swap3A_109 : vector<1x16xf32> to vector<16xf32>
      %swap3A_111 = vector.shape_cast %broadcast_in_dim3A_3 : vector<16xf32> to vector<1x16xf32>
      tpu.vector_store %arg10[%swap3A_107, %swap3A_108], %swap3A_111 {strides = array<i32>} : memref<96x128xf32, #tpu.memory_space<vmem>>, vector<1x16xf32>,
      %swap3A_112 = arith.index_cast %scan3A_81 : i32 to index
      %swap3A_113 = arith.constant 96 : index
      %swap3A_114 = tpu.vector_load %arg10[%swap3A_112, %swap3A_113] {strides = array<i32>} : memref<96x128xf32, #tpu.memory_space<vmem>>, vector<1x16xf32>,
      %swap3A_115 = vector.shape_cast %swap3A_114 : vector<1x16xf32> to vector<16xf32>
      %swap3A_116 = vector.shape_cast %broadcast_in_dim3A_3 : vector<16xf32> to vector<1x16xf32>
      tpu.vector_store %arg10[%swap3A_112, %swap3A_113], %swap3A_116 {strides = array<i32>} : memref<96x128xf32, #tpu.memory_space<vmem>>, vector<1x16xf32>,
      %swap3A_117 = arith.index_cast %scan3A_81 : i32 to index
      %swap3A_118 = arith.constant 112 : index
      %swap3A_119 = tpu.vector_load %arg10[%swap3A_117, %swap3A_118] {strides = array<i32>} : memref<96x128xf32, #tpu.memory_space<vmem>>, vector<1x16xf32>,
      %swap3A_120 = vector.shape_cast %swap3A_119 : vector<1x16xf32> to vector<16xf32>
      %swap3A_121 = vector.shape_cast %broadcast_in_dim3A_3 : vector<16xf32> to vector<1x16xf32>
      tpu.vector_store %arg10[%swap3A_117, %swap3A_118], %swap3A_121 {strides = array<i32>} : memref<96x128xf32, #tpu.memory_space<vmem>>, vector<1x16xf32>,
    }
    %scan3A_9 = arith.constant 96 : i32
    %scan3A_10 = arith.constant 0 : i32
    %scan3A_11 = arith.constant 10 : i32
    %scan3A_12 = arith.addi %scan3A_10, %scan3A_11 : i32
    %scan3A_13 = arith.constant 1 : i32
    scf.for %scan3A_81 = %scan3A_10 to %scan3A_12 step %scan3A_13  : i32 {
      %mul3A_82 = arith.constant 10 : i32
      %mul3A_83 = arith.muli %arg1, %mul3A_82 : i32
      %add3A_84 = arith.addi %mul3A_83, %scan3A_81 : i32
      %mul3A_85 = arith.constant 64 : i32
      %mul3A_86 = arith.muli %add3A_84, %mul3A_85 : i32
      %dma_start3A_87 = arith.constant 0 : i32
      %dma_start3A_88 = arith.constant 0 : i32
      %dma_start3A_89 = tpu.memref_slice %arg10[%dma_start3A_87, %dma_start3A_88] : memref<96x128xf32, #tpu.memory_space<vmem>> -> memref<64x128xf32, #tpu.memory_space<vmem>>
      %dma_start3A_90 = arith.constant 0 : i32
      %dma_start3A_91 = tpu.memref_slice %arg12[%mul3A_86, %dma_start3A_90] : memref<10240x128xf32, #tpu.memory_space<vmem_shared>> -> memref<64x128xf32, #tpu.memory_space<vmem_shared>>
      %dma_start3A_92 = arith.constant 0 : i32
      %dma_start3A_93 = tpu.memref_slice %arg12[%mul3A_86, %dma_start3A_92] : memref<10240x128xf32, #tpu.memory_space<vmem_shared>> -> memref<64x128xf32, #tpu.memory_space<vmem_shared>>
      %dma_start3A_94 = arith.constant 0 : i32
      %dma_start3A_95 = arith.constant 0 : i32
      %dma_start3A_96 = tpu.memref_slice %arg10[%dma_start3A_94, %dma_start3A_95] : memref<96x128xf32, #tpu.memory_space<vmem>> -> memref<64x128xf32, #tpu.memory_space<vmem>>
      tpu.enqueue_dma source(%dma_start3A_96 : memref<64x128xf32, #tpu.memory_space<vmem>>) target(%dma_start3A_93 : memref<64x128xf32, #tpu.memory_space<vmem_shared>>) target_semaphore(%arg13 : memref<!tpu.dma_semaphore, #tpu.memory_space<semaphore_mem>>)
    }
    %scan3A_14 = arith.constant 10 : i32
    %scan3A_15 = arith.constant 0 : i32
    %scan3A_16 = arith.constant 10 : i32
    %scan3A_17 = arith.addi %scan3A_15, %scan3A_16 : i32
    %scan3A_18 = arith.constant 1 : i32
    scf.for %scan3A_81 = %scan3A_15 to %scan3A_17 step %scan3A_18  : i32 {
      %mul3A_82 = arith.constant 640 : i32
      %mul3A_83 = arith.muli %arg1, %mul3A_82 : i32
      %dma_wait3A = arith.constant 0 : i32
      %dma_wait3A_84 = arith.constant 0 : i32
      %dma_wait3A_85 = tpu.memref_slice %arg10[%dma_wait3A, %dma_wait3A_84] : memref<96x128xf32, #tpu.memory_space<vmem>> -> memref<64x128xf32, #tpu.memory_space<vmem>>
      %dma_wait3A_86 = arith.constant 0 : i32
      %dma_wait3A_87 = tpu.memref_slice %arg12[%mul3A_83, %dma_wait3A_86] : memref<10240x128xf32, #tpu.memory_space<vmem_shared>> -> memref<64x128xf32, #tpu.memory_space<vmem_shared>>
      %dma_wait3A_88 = arith.constant 0 : i32
      %dma_wait3A_89 = tpu.memref_slice %arg12[%mul3A_83, %dma_wait3A_88] : memref<10240x128xf32, #tpu.memory_space<vmem_shared>> -> memref<64x128xf32, #tpu.memory_space<vmem_shared>>
      %dma_wait3A_90 = arith.constant 0 : i32
      %dma_wait3A_91 = arith.constant 0 : i32
      %dma_wait3A_92 = tpu.memref_slice %arg10[%dma_wait3A_90, %dma_wait3A_91] : memref<96x128xf32, #tpu.memory_space<vmem>> -> memref<64x128xf32, #tpu.memory_space<vmem>>
      tpu.wait_dma2 semaphore(%arg13 : memref<!tpu.dma_semaphore, #tpu.memory_space<semaphore_mem>>) src(%dma_wait3A_92 : memref<64x128xf32, #tpu.memory_space<vmem>>) dst(%dma_wait3A_89 : memref<64x128xf32, #tpu.memory_space<vmem_shared>>)
    }
    %scan3A_19 = arith.constant 10 : i32
    %swap3A = arith.constant 0 : index
    %swap3A_20 = tpu.vector_load %arg17[%swap3A] {strides = array<i32>} : memref<96xf32, #tpu.memory_space<vmem>>, vector<16xf32>,
    %swap3A_21 = vector.shape_cast %swap3A_20 : vector<16xf32> to vector<16xf32>
    %swap3A_22 = vector.shape_cast %broadcast_in_dim3A_5 : vector<16xf32> to vector<16xf32>
    tpu.vector_store %arg17[%swap3A], %swap3A_22 {strides = array<i32>} : memref<96xf32, #tpu.memory_space<vmem>>, vector<16xf32>,
    %swap3A_23 = arith.constant 16 : index
    %swap3A_24 = tpu.vector_load %arg17[%swap3A_23] {strides = array<i32>} : memref<96xf32, #tpu.memory_space<vmem>>, vector<16xf32>,
    %swap3A_25 = vector.shape_cast %swap3A_24 : vector<16xf32> to vector<16xf32>
    %swap3A_26 = vector.shape_cast %broadcast_in_dim3A_5 : vector<16xf32> to vector<16xf32>
    tpu.vector_store %arg17[%swap3A_23], %swap3A_26 {strides = array<i32>} : memref<96xf32, #tpu.memory_space<vmem>>, vector<16xf32>,
    %swap3A_27 = arith.constant 32 : index
    %swap3A_28 = tpu.vector_load %arg17[%swap3A_27] {strides = array<i32>} : memref<96xf32, #tpu.memory_space<vmem>>, vector<16xf32>,
    %swap3A_29 = vector.shape_cast %swap3A_28 : vector<16xf32> to vector<16xf32>
    %swap3A_30 = vector.shape_cast %broadcast_in_dim3A_5 : vector<16xf32> to vector<16xf32>
    tpu.vector_store %arg17[%swap3A_27], %swap3A_30 {strides = array<i32>} : memref<96xf32, #tpu.memory_space<vmem>>, vector<16xf32>,
    %swap3A_31 = arith.constant 48 : index
    %swap3A_32 = tpu.vector_load %arg17[%swap3A_31] {strides = array<i32>} : memref<96xf32, #tpu.memory_space<vmem>>, vector<16xf32>,
    %swap3A_33 = vector.shape_cast %swap3A_32 : vector<16xf32> to vector<16xf32>
    %swap3A_34 = vector.shape_cast %broadcast_in_dim3A_5 : vector<16xf32> to vector<16xf32>
    tpu.vector_store %arg17[%swap3A_31], %swap3A_34 {strides = array<i32>} : memref<96xf32, #tpu.memory_space<vmem>>, vector<16xf32>,
    %swap3A_35 = arith.constant 64 : index
    %swap3A_36 = tpu.vector_load %arg17[%swap3A_35] {strides = array<i32>} : memref<96xf32, #tpu.memory_space<vmem>>, vector<16xf32>,
    %swap3A_37 = vector.shape_cast %swap3A_36 : vector<16xf32> to vector<16xf32>
    %swap3A_38 = vector.shape_cast %broadcast_in_dim3A_5 : vector<16xf32> to vector<16xf32>
    tpu.vector_store %arg17[%swap3A_35], %swap3A_38 {strides = array<i32>} : memref<96xf32, #tpu.memory_space<vmem>>, vector<16xf32>,
    %swap3A_39 = arith.constant 80 : index
    %swap3A_40 = tpu.vector_load %arg17[%swap3A_39] {strides = array<i32>} : memref<96xf32, #tpu.memory_space<vmem>>, vector<16xf32>,
    %swap3A_41 = vector.shape_cast %swap3A_40 : vector<16xf32> to vector<16xf32>
    %swap3A_42 = vector.shape_cast %broadcast_in_dim3A_5 : vector<16xf32> to vector<16xf32>
    tpu.vector_store %arg17[%swap3A_39], %swap3A_42 {strides = array<i32>} : memref<96xf32, #tpu.memory_space<vmem>>, vector<16xf32>,
    %scan3A_43 = arith.constant 0 : i32
    %scan3A_44 = arith.constant 40 : i32
    %scan3A_45 = arith.addi %scan3A_43, %scan3A_44 : i32
    %scan3A_46 = arith.constant 1 : i32
    scf.for %scan3A_81 = %scan3A_43 to %scan3A_45 step %scan3A_46  : i32 {
      %mul3A_82 = arith.constant 16 : i32
      %mul3A_83 = arith.muli %scan3A_81, %mul3A_82 : i32
      %swap3A_84 = arith.index_cast %mul3A_83 : i32 to index
      %swap3A_85 = tpu.vector_load %arg18[%swap3A_84] {strides = array<i32>} : memref<640xf32, #tpu.memory_space<vmem>>, vector<16xf32>,
      %swap3A_86 = vector.shape_cast %swap3A_85 : vector<16xf32> to vector<16xf32>
      %swap3A_87 = vector.shape_cast %broadcast_in_dim3A_3 : vector<16xf32> to vector<16xf32>
      tpu.vector_store %arg18[%swap3A_84], %swap3A_87 {strides = array<i32>} : memref<640xf32, #tpu.memory_space<vmem>>, vector<16xf32>,
    }
    %scan3A_47 = arith.constant 40 : i32
    %mul3A_48 = arith.constant 640 : i32
    %mul3A_49 = arith.muli %arg1, %mul3A_48 : i32
    "tpu.region"() ({
      %run_scoped3A = tpu.sem_alloc : memref<!tpu.dma_semaphore, #tpu.memory_space<semaphore_mem>>
      %dma_start3A_81 = tpu.memref_slice %arg19[%mul3A_49] : memref<10240xf32, #tpu.memory_space<vmem_shared>> -> memref<640xf32, #tpu.memory_space<vmem_shared>>
      %dma_start3A_82 = tpu.memref_slice %arg19[%mul3A_49] : memref<10240xf32, #tpu.memory_space<vmem_shared>> -> memref<640xf32, #tpu.memory_space<vmem_shared>>
      tpu.enqueue_dma source(%arg18 : memref<640xf32, #tpu.memory_space<vmem>>) target(%dma_start3A_82 : memref<640xf32, #tpu.memory_space<vmem_shared>>) target_semaphore(%run_scoped3A : memref<!tpu.dma_semaphore, #tpu.memory_space<semaphore_mem>>)
      %dma_wait3A = tpu.memref_slice %arg19[%mul3A_49] : memref<10240xf32, #tpu.memory_space<vmem_shared>> -> memref<640xf32, #tpu.memory_space<vmem_shared>>
      %dma_wait3A_83 = tpu.memref_slice %arg19[%mul3A_49] : memref<10240xf32, #tpu.memory_space<vmem_shared>> -> memref<640xf32, #tpu.memory_space<vmem_shared>>
      tpu.wait_dma2 semaphore(%run_scoped3A : memref<!tpu.dma_semaphore, #tpu.memory_space<semaphore_mem>>) src(%arg18 : memref<640xf32, #tpu.memory_space<vmem>>) dst(%dma_wait3A_83 : memref<640xf32, #tpu.memory_space<vmem_shared>>)
      tpu.yield
    }) : () -> ()
    "tpu.region"() ({
      %run_scoped3A = tpu.sem_alloc : memref<!tpu.dma_semaphore, #tpu.memory_space<semaphore_mem>>
      %dma_start3A_81 = tpu.memref_slice %arg3[%mul3A_2] : memref<322560xi32, #tpu.memory_space<hbm>> -> memref<10080xi32, #tpu.memory_space<hbm>>
      %dma_start3A_82 = tpu.memref_slice %arg3[%mul3A_2] : memref<322560xi32, #tpu.memory_space<hbm>> -> memref<10080xi32, #tpu.memory_space<hbm>>
      tpu.enqueue_dma source(%dma_start3A_82 : memref<10080xi32, #tpu.memory_space<hbm>>) target(%arg7 : memref<10080xi32, #tpu.memory_space<vmem>>) target_semaphore(%run_scoped3A : memref<!tpu.dma_semaphore, #tpu.memory_space<semaphore_mem>>)
      %dma_wait3A = tpu.memref_slice %arg3[%mul3A_2] : memref<322560xi32, #tpu.memory_space<hbm>> -> memref<10080xi32, #tpu.memory_space<hbm>>
      %dma_wait3A_83 = tpu.memref_slice %arg3[%mul3A_2] : memref<322560xi32, #tpu.memory_space<hbm>> -> memref<10080xi32, #tpu.memory_space<hbm>>
      tpu.wait_dma2 semaphore(%run_scoped3A : memref<!tpu.dma_semaphore, #tpu.memory_space<semaphore_mem>>) src(%dma_wait3A_83 : memref<10080xi32, #tpu.memory_space<hbm>>) dst(%arg7 : memref<10080xi32, #tpu.memory_space<vmem>>)
      tpu.yield
    }) : () -> ()
    %barrier3A = arith.constant 0 : index
    tpu.barrier barrier_id(%barrier3A)
    %add3A_50 = arith.constant 0 : i32
    %add3A_51 = arith.addi %mul3A_2, %add3A_50 : i32
    %dma_start3A = tpu.memref_slice %arg4[%add3A_51] : memref<322560xi32, #tpu.memory_space<hbm>> -> memref<96xi32, #tpu.memory_space<hbm>>
    %dma_start3A_52 = tpu.memref_slice %arg4[%add3A_51] : memref<322560xi32, #tpu.memory_space<hbm>> -> memref<96xi32, #tpu.memory_space<hbm>>
    tpu.enqueue_dma source(%dma_start3A_52 : memref<96xi32, #tpu.memory_space<hbm>>) target(%arg8 : memref<96xi32, #tpu.memory_space<vmem>>) target_semaphore(%arg15 : memref<!tpu.dma_semaphore, #tpu.memory_space<semaphore_mem>>)
    %dma_start3A_53 = arith.constant 0 : i32
    %dma_start3A_54 = tpu.memref_slice %arg7[%dma_start3A_53] : memref<10080xi32, #tpu.memory_space<vmem>> -> memref<96xi32, #tpu.memory_space<vmem>>
    %dma_start3A_55 = arith.constant 0 : i32
    %dma_start3A_56 = arith.constant 0 : i32
    %dma_start3A_57 = tpu.memref_slice %arg2[%dma_start3A_55, %dma_start3A_56] : memref<10000x128xf32, #tpu.memory_space<hbm>> -> memref<10000x128xf32, #tpu.memory_space<hbm>>
    tpu.enqueue_indirect_dma source(%dma_start3A_57 : memref<10000x128xf32, #tpu.memory_space<hbm>>) target(%arg10 : memref<96x128xf32, #tpu.memory_space<vmem>>) offsets(%dma_start3A_54 : memref<96xi32, #tpu.memory_space<vmem>>) semaphore(%arg13 : memref<!tpu.dma_semaphore, #tpu.memory_space<semaphore_mem>>)
    %add3A_58 = arith.constant 96 : i32
    %add3A_59 = arith.addi %mul3A_2, %add3A_58 : i32
    %dma_start3A_60 = tpu.memref_slice %arg4[%add3A_59] : memref<322560xi32, #tpu.memory_space<hbm>> -> memref<96xi32, #tpu.memory_space<hbm>>
    %dma_start3A_61 = tpu.memref_slice %arg4[%add3A_59] : memref<322560xi32, #tpu.memory_space<hbm>> -> memref<96xi32, #tpu.memory_space<hbm>>
    tpu.enqueue_dma source(%dma_start3A_61 : memref<96xi32, #tpu.memory_space<hbm>>) target(%arg9 : memref<96xi32, #tpu.memory_space<vmem>>) target_semaphore(%arg16 : memref<!tpu.dma_semaphore, #tpu.memory_space<semaphore_mem>>)
    %dma_start3A_62 = arith.constant 96 : i32
    %dma_start3A_63 = tpu.memref_slice %arg7[%dma_start3A_62] : memref<10080xi32, #tpu.memory_space<vmem>> -> memref<96xi32, #tpu.memory_space<vmem>>
    %dma_start3A_64 = arith.constant 0 : i32
    %dma_start3A_65 = arith.constant 0 : i32
    %dma_start3A_66 = tpu.memref_slice %arg2[%dma_start3A_64, %dma_start3A_65] : memref<10000x128xf32, #tpu.memory_space<hbm>> -> memref<10000x128xf32, #tpu.memory_space<hbm>>
    tpu.enqueue_indirect_dma source(%dma_start3A_66 : memref<10000x128xf32, #tpu.memory_space<hbm>>) target(%arg11 : memref<96x128xf32, #tpu.memory_space<vmem>>) offsets(%dma_start3A_63 : memref<96xi32, #tpu.memory_space<vmem>>) semaphore(%arg14 : memref<!tpu.dma_semaphore, #tpu.memory_space<semaphore_mem>>)
    %scan3A_67 = arith.constant 0 : i32
    %scan3A_68 = arith.constant 53 : i32
    %scan3A_69 = arith.addi %scan3A_67, %scan3A_68 : i32
    %scan3A_70 = arith.constant 1 : i32
    scf.for %scan3A_81 = %scan3A_67 to %scan3A_69 step %scan3A_70  : i32 {
      %mul3A_82 = arith.constant 2 : i32
      %mul3A_83 = arith.muli %mul3A_82, %scan3A_81 : i32
      %add3A_84 = arith.constant 0 : i32
      %add3A_85 = arith.addi %mul3A_83, %add3A_84 : i32
      %lt3A = arith.constant 105 : i32
      %lt3A_86 = arith.cmpi slt, %add3A_85, %lt3A : i32
      %convert_element_type3A = arith.extui %lt3A_86 : i1 to i32
      %cond3A = arith.constant 0 : i32
      %cond3A_87 = arith.cmpi ne, %convert_element_type3A, %cond3A : i32
      scf.if %cond3A_87 {
        %dma_wait3A = arith.constant 0 : i32
        %dma_wait3A_97 = tpu.memref_slice %arg4[%dma_wait3A] : memref<322560xi32, #tpu.memory_space<hbm>> -> memref<96xi32, #tpu.memory_space<hbm>>
        %dma_wait3A_98 = arith.constant 0 : i32
        %dma_wait3A_99 = tpu.memref_slice %arg4[%dma_wait3A_98] : memref<322560xi32, #tpu.memory_space<hbm>> -> memref<96xi32, #tpu.memory_space<hbm>>
        tpu.wait_dma2 semaphore(%arg15 : memref<!tpu.dma_semaphore, #tpu.memory_space<semaphore_mem>>) src(%dma_wait3A_99 : memref<96xi32, #tpu.memory_space<hbm>>) dst(%arg8 : memref<96xi32, #tpu.memory_space<vmem>>)
        %dma_wait3A_100 = arith.constant 0 : i32
        %dma_wait3A_101 = arith.constant 0 : i32
        %dma_wait3A_102 = tpu.memref_slice %arg2[%dma_wait3A_100, %dma_wait3A_101] : memref<10000x128xf32, #tpu.memory_space<hbm>> -> memref<96x128xf32, #tpu.memory_space<hbm>>
        %dma_wait3A_103 = arith.constant 0 : i32
        %dma_wait3A_104 = arith.constant 0 : i32
        %dma_wait3A_105 = tpu.memref_slice %arg2[%dma_wait3A_103, %dma_wait3A_104] : memref<10000x128xf32, #tpu.memory_space<hbm>> -> memref<96x128xf32, #tpu.memory_space<hbm>>
        tpu.wait_dma2 semaphore(%arg13 : memref<!tpu.dma_semaphore, #tpu.memory_space<semaphore_mem>>) src(%dma_wait3A_105 : memref<96x128xf32, #tpu.memory_space<hbm>>) dst(%arg10 : memref<96x128xf32, #tpu.memory_space<vmem>>)
        "tpu.region"() ({
          %run_scoped3A = tpu.sem_alloc : memref<!tpu.dma_semaphore, #tpu.memory_space<semaphore_mem>>
          %dma_start3A_113 = arith.constant 0 : i32
          %dma_start3A_114 = arith.constant 0 : i32
          %dma_start3A_115 = tpu.memref_slice %arg12[%dma_start3A_113, %dma_start3A_114] : memref<10240x128xf32, #tpu.memory_space<vmem_shared>> -> memref<10240x128xf32, #tpu.memory_space<vmem_shared>>
          tpu.enqueue_indirect_dma source(%arg10 : memref<96x128xf32, #tpu.memory_space<vmem>>) target(%dma_start3A_115 : memref<10240x128xf32, #tpu.memory_space<vmem_shared>>) offsets(%arg8 : memref<96xi32, #tpu.memory_space<vmem>>) semaphore(%run_scoped3A : memref<!tpu.dma_semaphore, #tpu.memory_space<semaphore_mem>>) {add = true}
          %dma_wait3A_116 = arith.constant 0 : i32
          %dma_wait3A_117 = arith.constant 0 : i32
          %dma_wait3A_118 = tpu.memref_slice %arg12[%dma_wait3A_116, %dma_wait3A_117] : memref<10240x128xf32, #tpu.memory_space<vmem_shared>> -> memref<10240x128xf32, #tpu.memory_space<vmem_shared>>
          tpu.wait_indirect_dma semaphore(%run_scoped3A : memref<!tpu.dma_semaphore, #tpu.memory_space<semaphore_mem>>) src(%arg10 : memref<96x128xf32, #tpu.memory_space<vmem>>) dst(%dma_wait3A_118 : memref<10240x128xf32, #tpu.memory_space<vmem_shared>>)
          tpu.yield
        }) : () -> ()
        "tpu.region"() ({
          %run_scoped3A = tpu.sem_alloc : memref<!tpu.dma_semaphore, #tpu.memory_space<semaphore_mem>>
          %dma_start3A_113 = arith.constant 0 : i32
          %dma_start3A_114 = tpu.memref_slice %arg19[%dma_start3A_113] : memref<10240xf32, #tpu.memory_space<vmem_shared>> -> memref<10240xf32, #tpu.memory_space<vmem_shared>>
          tpu.enqueue_indirect_dma source(%arg17 : memref<96xf32, #tpu.memory_space<vmem>>) target(%dma_start3A_114 : memref<10240xf32, #tpu.memory_space<vmem_shared>>) offsets(%arg8 : memref<96xi32, #tpu.memory_space<vmem>>) semaphore(%run_scoped3A : memref<!tpu.dma_semaphore, #tpu.memory_space<semaphore_mem>>) {add = true}
          %dma_wait3A_115 = arith.constant 0 : i32
          %dma_wait3A_116 = tpu.memref_slice %arg19[%dma_wait3A_115] : memref<10240xf32, #tpu.memory_space<vmem_shared>> -> memref<10240xf32, #tpu.memory_space<vmem_shared>>
          tpu.wait_indirect_dma semaphore(%run_scoped3A : memref<!tpu.dma_semaphore, #tpu.memory_space<semaphore_mem>>) src(%arg17 : memref<96xf32, #tpu.memory_space<vmem>>) dst(%dma_wait3A_116 : memref<10240xf32, #tpu.memory_space<vmem_shared>>)
          tpu.yield
        }) : () -> ()
        %add3A_106 = arith.constant 2 : i32
        %add3A_107 = arith.addi %add3A_85, %add3A_106 : i32
        %lt3A_108 = arith.constant 105 : i32
        %lt3A_109 = arith.cmpi slt, %add3A_107, %lt3A_108 : i32
        %convert_element_type3A_110 = arith.extui %lt3A_109 : i1 to i32
        %cond3A_111 = arith.constant 0 : i32
        %cond3A_112 = arith.cmpi ne, %convert_element_type3A_110, %cond3A_111 : i32
        scf.if %cond3A_112 {
          %add3A_113 = arith.constant 2 : i32
          %add3A_114 = arith.addi %add3A_85, %add3A_113 : i32
          %mul3A_115 = arith.constant 96 : i32
          %mul3A_116 = arith.muli %add3A_114, %mul3A_115 : i32
          %add3A_117 = arith.addi %mul3A_2, %mul3A_116 : i32
          %dma_start3A_118 = tpu.memref_slice %arg4[%add3A_117] : memref<322560xi32, #tpu.memory_space<hbm>> -> memref<96xi32, #tpu.memory_space<hbm>>
          %dma_start3A_119 = tpu.memref_slice %arg4[%add3A_117] : memref<322560xi32, #tpu.memory_space<hbm>> -> memref<96xi32, #tpu.memory_space<hbm>>
          tpu.enqueue_dma source(%dma_start3A_119 : memref<96xi32, #tpu.memory_space<hbm>>) target(%arg8 : memref<96xi32, #tpu.memory_space<vmem>>) target_semaphore(%arg15 : memref<!tpu.dma_semaphore, #tpu.memory_space<semaphore_mem>>)
          %mul3A_120 = arith.constant 96 : i32
          %mul3A_121 = arith.muli %add3A_114, %mul3A_120 : i32
          %dma_start3A_122 = tpu.memref_slice %arg7[%mul3A_121] : memref<10080xi32, #tpu.memory_space<vmem>> -> memref<96xi32, #tpu.memory_space<vmem>>
          %dma_start3A_123 = arith.constant 0 : i32
          %dma_start3A_124 = arith.constant 0 : i32
          %dma_start3A_125 = tpu.memref_slice %arg2[%dma_start3A_123, %dma_start3A_124] : memref<10000x128xf32, #tpu.memory_space<hbm>> -> memref<10000x128xf32, #tpu.memory_space<hbm>>
          tpu.enqueue_indirect_dma source(%dma_start3A_125 : memref<10000x128xf32, #tpu.memory_space<hbm>>) target(%arg10 : memref<96x128xf32, #tpu.memory_space<vmem>>) offsets(%dma_start3A_122 : memref<96xi32, #tpu.memory_space<vmem>>) semaphore(%arg13 : memref<!tpu.dma_semaphore, #tpu.memory_space<semaphore_mem>>)
        } else {
        }
      } else {
      }
      %mul3A_88 = arith.constant 2 : i32
      %mul3A_89 = arith.muli %mul3A_88, %scan3A_81 : i32
      %add3A_90 = arith.constant 1 : i32
      %add3A_91 = arith.addi %mul3A_89, %add3A_90 : i32
      %lt3A_92 = arith.constant 105 : i32
      %lt3A_93 = arith.cmpi slt, %add3A_91, %lt3A_92 : i32
      %convert_element_type3A_94 = arith.extui %lt3A_93 : i1 to i32
      %cond3A_95 = arith.constant 0 : i32
      %cond3A_96 = arith.cmpi ne, %convert_element_type3A_94, %cond3A_95 : i32
      scf.if %cond3A_96 {
        %dma_wait3A = arith.constant 0 : i32
        %dma_wait3A_97 = tpu.memref_slice %arg4[%dma_wait3A] : memref<322560xi32, #tpu.memory_space<hbm>> -> memref<96xi32, #tpu.memory_space<hbm>>
        %dma_wait3A_98 = arith.constant 0 : i32
        %dma_wait3A_99 = tpu.memref_slice %arg4[%dma_wait3A_98] : memref<322560xi32, #tpu.memory_space<hbm>> -> memref<96xi32, #tpu.memory_space<hbm>>
        tpu.wait_dma2 semaphore(%arg16 : memref<!tpu.dma_semaphore, #tpu.memory_space<semaphore_mem>>) src(%dma_wait3A_99 : memref<96xi32, #tpu.memory_space<hbm>>) dst(%arg9 : memref<96xi32, #tpu.memory_space<vmem>>)
        %dma_wait3A_100 = arith.constant 0 : i32
        %dma_wait3A_101 = arith.constant 0 : i32
        %dma_wait3A_102 = tpu.memref_slice %arg2[%dma_wait3A_100, %dma_wait3A_101] : memref<10000x128xf32, #tpu.memory_space<hbm>> -> memref<96x128xf32, #tpu.memory_space<hbm>>
        %dma_wait3A_103 = arith.constant 0 : i32
        %dma_wait3A_104 = arith.constant 0 : i32
        %dma_wait3A_105 = tpu.memref_slice %arg2[%dma_wait3A_103, %dma_wait3A_104] : memref<10000x128xf32, #tpu.memory_space<hbm>> -> memref<96x128xf32, #tpu.memory_space<hbm>>
        tpu.wait_dma2 semaphore(%arg14 : memref<!tpu.dma_semaphore, #tpu.memory_space<semaphore_mem>>) src(%dma_wait3A_105 : memref<96x128xf32, #tpu.memory_space<hbm>>) dst(%arg11 : memref<96x128xf32, #tpu.memory_space<vmem>>)
        "tpu.region"() ({
          %run_scoped3A = tpu.sem_alloc : memref<!tpu.dma_semaphore, #tpu.memory_space<semaphore_mem>>
          %dma_start3A_113 = arith.constant 0 : i32
          %dma_start3A_114 = arith.constant 0 : i32
          %dma_start3A_115 = tpu.memref_slice %arg12[%dma_start3A_113, %dma_start3A_114] : memref<10240x128xf32, #tpu.memory_space<vmem_shared>> -> memref<10240x128xf32, #tpu.memory_space<vmem_shared>>
          tpu.enqueue_indirect_dma source(%arg11 : memref<96x128xf32, #tpu.memory_space<vmem>>) target(%dma_start3A_115 : memref<10240x128xf32, #tpu.memory_space<vmem_shared>>) offsets(%arg9 : memref<96xi32, #tpu.memory_space<vmem>>) semaphore(%run_scoped3A : memref<!tpu.dma_semaphore, #tpu.memory_space<semaphore_mem>>) {add = true}
          %dma_wait3A_116 = arith.constant 0 : i32
          %dma_wait3A_117 = arith.constant 0 : i32
          %dma_wait3A_118 = tpu.memref_slice %arg12[%dma_wait3A_116, %dma_wait3A_117] : memref<10240x128xf32, #tpu.memory_space<vmem_shared>> -> memref<10240x128xf32, #tpu.memory_space<vmem_shared>>
          tpu.wait_indirect_dma semaphore(%run_scoped3A : memref<!tpu.dma_semaphore, #tpu.memory_space<semaphore_mem>>) src(%arg11 : memref<96x128xf32, #tpu.memory_space<vmem>>) dst(%dma_wait3A_118 : memref<10240x128xf32, #tpu.memory_space<vmem_shared>>)
          tpu.yield
        }) : () -> ()
        "tpu.region"() ({
          %run_scoped3A = tpu.sem_alloc : memref<!tpu.dma_semaphore, #tpu.memory_space<semaphore_mem>>
          %dma_start3A_113 = arith.constant 0 : i32
          %dma_start3A_114 = tpu.memref_slice %arg19[%dma_start3A_113] : memref<10240xf32, #tpu.memory_space<vmem_shared>> -> memref<10240xf32, #tpu.memory_space<vmem_shared>>
          tpu.enqueue_indirect_dma source(%arg17 : memref<96xf32, #tpu.memory_space<vmem>>) target(%dma_start3A_114 : memref<10240xf32, #tpu.memory_space<vmem_shared>>) offsets(%arg9 : memref<96xi32, #tpu.memory_space<vmem>>) semaphore(%run_scoped3A : memref<!tpu.dma_semaphore, #tpu.memory_space<semaphore_mem>>) {add = true}
          %dma_wait3A_115 = arith.constant 0 : i32
          %dma_wait3A_116 = tpu.memref_slice %arg19[%dma_wait3A_115] : memref<10240xf32, #tpu.memory_space<vmem_shared>> -> memref<10240xf32, #tpu.memory_space<vmem_shared>>
          tpu.wait_indirect_dma semaphore(%run_scoped3A : memref<!tpu.dma_semaphore, #tpu.memory_space<semaphore_mem>>) src(%arg17 : memref<96xf32, #tpu.memory_space<vmem>>) dst(%dma_wait3A_116 : memref<10240xf32, #tpu.memory_space<vmem_shared>>)
          tpu.yield
        }) : () -> ()
        %add3A_106 = arith.constant 2 : i32
        %add3A_107 = arith.addi %add3A_91, %add3A_106 : i32
        %lt3A_108 = arith.constant 105 : i32
        %lt3A_109 = arith.cmpi slt, %add3A_107, %lt3A_108 : i32
        %convert_element_type3A_110 = arith.extui %lt3A_109 : i1 to i32
        %cond3A_111 = arith.constant 0 : i32
        %cond3A_112 = arith.cmpi ne, %convert_element_type3A_110, %cond3A_111 : i32
        scf.if %cond3A_112 {
          %add3A_113 = arith.constant 2 : i32
          %add3A_114 = arith.addi %add3A_91, %add3A_113 : i32
          %mul3A_115 = arith.constant 96 : i32
          %mul3A_116 = arith.muli %add3A_114, %mul3A_115 : i32
          %add3A_117 = arith.addi %mul3A_2, %mul3A_116 : i32
          %dma_start3A_118 = tpu.memref_slice %arg4[%add3A_117] : memref<322560xi32, #tpu.memory_space<hbm>> -> memref<96xi32, #tpu.memory_space<hbm>>
          %dma_start3A_119 = tpu.memref_slice %arg4[%add3A_117] : memref<322560xi32, #tpu.memory_space<hbm>> -> memref<96xi32, #tpu.memory_space<hbm>>
          tpu.enqueue_dma source(%dma_start3A_119 : memref<96xi32, #tpu.memory_space<hbm>>) target(%arg9 : memref<96xi32, #tpu.memory_space<vmem>>) target_semaphore(%arg16 : memref<!tpu.dma_semaphore, #tpu.memory_space<semaphore_mem>>)
          %mul3A_120 = arith.constant 96 : i32
          %mul3A_121 = arith.muli %add3A_114, %mul3A_120 : i32
          %dma_start3A_122 = tpu.memref_slice %arg7[%mul3A_121] : memref<10080xi32, #tpu.memory_space<vmem>> -> memref<96xi32, #tpu.memory_space<vmem>>
          %dma_start3A_123 = arith.constant 0 : i32
          %dma_start3A_124 = arith.constant 0 : i32
          %dma_start3A_125 = tpu.memref_slice %arg2[%dma_start3A_123, %dma_start3A_124] : memref<10000x128xf32, #tpu.memory_space<hbm>> -> memref<10000x128xf32, #tpu.memory_space<hbm>>
          tpu.enqueue_indirect_dma source(%dma_start3A_125 : memref<10000x128xf32, #tpu.memory_space<hbm>>) target(%arg11 : memref<96x128xf32, #tpu.memory_space<vmem>>) offsets(%dma_start3A_122 : memref<96xi32, #tpu.memory_space<vmem>>) semaphore(%arg14 : memref<!tpu.dma_semaphore, #tpu.memory_space<semaphore_mem>>)
        } else {
        }
      } else {
      }
    }
    %scan3A_71 = arith.constant 53 : i32
    %barrier3A_72 = arith.constant 0 : index
    tpu.barrier barrier_id(%barrier3A_72)
    %mul3A_73 = arith.constant 640 : i32
    %mul3A_74 = arith.muli %arg1, %mul3A_73 : i32
    %mul3A_75 = arith.constant 640 : i32
    %mul3A_76 = arith.muli %arg1, %mul3A_75 : i32
    "tpu.region"() ({
      %run_scoped3A = tpu.sem_alloc : memref<!tpu.dma_semaphore, #tpu.memory_space<semaphore_mem>>
      %dma_start3A_81 = arith.constant 0 : i32
      %dma_start3A_82 = tpu.memref_slice %arg5[%arg0, %mul3A_76, %dma_start3A_81] : memref<2x10240x128xf32, #tpu.memory_space<hbm>> -> memref<1x640x128xf32, #tpu.memory_space<hbm>>
      %dma_start3A_83 = tpu.memref_squeeze %dma_start3A_82 : memref<1x640x128xf32, #tpu.memory_space<hbm>> -> memref<640x128xf32, #tpu.memory_space<hbm>>
      %dma_start3A_84 = arith.constant 0 : i32
      %dma_start3A_85 = tpu.memref_slice %arg12[%mul3A_74, %dma_start3A_84] : memref<10240x128xf32, #tpu.memory_space<vmem_shared>> -> memref<640x128xf32, #tpu.memory_space<vmem_shared>>
      tpu.enqueue_dma source(%dma_start3A_85 : memref<640x128xf32, #tpu.memory_space<vmem_shared>>) target(%dma_start3A_83 : memref<640x128xf32, #tpu.memory_space<hbm>>) target_semaphore(%run_scoped3A : memref<!tpu.dma_semaphore, #tpu.memory_space<semaphore_mem>>)
      %dma_wait3A = arith.constant 0 : i32
      %dma_wait3A_86 = tpu.memref_slice %arg5[%arg0, %mul3A_76, %dma_wait3A] : memref<2x10240x128xf32, #tpu.memory_space<hbm>> -> memref<1x640x128xf32, #tpu.memory_space<hbm>>
      %dma_wait3A_87 = tpu.memref_squeeze %dma_wait3A_86 : memref<1x640x128xf32, #tpu.memory_space<hbm>> -> memref<640x128xf32, #tpu.memory_space<hbm>>
      %dma_wait3A_88 = arith.constant 0 : i32
      %dma_wait3A_89 = tpu.memref_slice %arg12[%mul3A_74, %dma_wait3A_88] : memref<10240x128xf32, #tpu.memory_space<vmem_shared>> -> memref<640x128xf32, #tpu.memory_space<vmem_shared>>
      tpu.wait_dma2 semaphore(%run_scoped3A : memref<!tpu.dma_semaphore, #tpu.memory_space<semaphore_mem>>) src(%dma_wait3A_89 : memref<640x128xf32, #tpu.memory_space<vmem_shared>>) dst(%dma_wait3A_87 : memref<640x128xf32, #tpu.memory_space<hbm>>)
      tpu.yield
    }) : () -> ()
    %mul3A_77 = arith.constant 640 : i32
    %mul3A_78 = arith.muli %arg1, %mul3A_77 : i32
    %mul3A_79 = arith.constant 640 : i32
    %mul3A_80 = arith.muli %arg1, %mul3A_79 : i32
    "tpu.region"() ({
      %run_scoped3A = tpu.sem_alloc : memref<!tpu.dma_semaphore, #tpu.memory_space<semaphore_mem>>
      %dma_start3A_81 = tpu.memref_slice %arg6[%arg0, %mul3A_80] : memref<2x10240xf32, #tpu.memory_space<hbm>> -> memref<1x640xf32, #tpu.memory_space<hbm>>
      %dma_start3A_82 = tpu.memref_squeeze %dma_start3A_81 : memref<1x640xf32, #tpu.memory_space<hbm>> -> memref<640xf32, #tpu.memory_space<hbm>>
      %dma_start3A_83 = tpu.memref_slice %arg19[%mul3A_78] : memref<10240xf32, #tpu.memory_space<vmem_shared>> -> memref<640xf32, #tpu.memory_space<vmem_shared>>
      tpu.enqueue_dma source(%dma_start3A_83 : memref<640xf32, #tpu.memory_space<vmem_shared>>) target(%dma_start3A_82 : memref<640xf32, #tpu.memory_space<hbm>>) target_semaphore(%run_scoped3A : memref<!tpu.dma_semaphore, #tpu.memory_space<semaphore_mem>>)
      %dma_wait3A = tpu.memref_slice %arg6[%arg0, %mul3A_80] : memref<2x10240xf32, #tpu.memory_space<hbm>> -> memref<1x640xf32, #tpu.memory_space<hbm>>
      %dma_wait3A_84 = tpu.memref_squeeze %dma_wait3A : memref<1x640xf32, #tpu.memory_space<hbm>> -> memref<640xf32, #tpu.memory_space<hbm>>
      %dma_wait3A_85 = tpu.memref_slice %arg19[%mul3A_78] : memref<10240xf32, #tpu.memory_space<vmem_shared>> -> memref<640xf32, #tpu.memory_space<vmem_shared>>
      tpu.wait_dma2 semaphore(%run_scoped3A : memref<!tpu.dma_semaphore, #tpu.memory_space<semaphore_mem>>) src(%dma_wait3A_85 : memref<640xf32, #tpu.memory_space<vmem_shared>>) dst(%dma_wait3A_84 : memref<640xf32, #tpu.memory_space<hbm>>)
      tpu.yield
    }) : () -> ()
    return
  }
}

#map = affine_map<(d0, d1) -> (0, 0)>
#map1 = affine_map<(d0, d1) -> (0)>
#map2 = affine_map<(d0, d1) -> (0, 0, 0)>
module attributes {stable_mosaic.version = 14 : i64} {
  func.func @body(%arg0: i32, %arg1: i32, %arg2: memref<10240x128xf32, #tpu.memory_space<hbm>>, %arg3: memref<322560xi32, #tpu.memory_space<hbm>>, %arg4: memref<322560xi32, #tpu.memory_space<hbm>>, %arg5: memref<2x10240x128xf32, #tpu.memory_space<hbm>>, %arg6: memref<10080xi32, #tpu.memory_space<vmem>>, %arg7: memref<96xi32, #tpu.memory_space<vmem>>, %arg8: memref<96xi32, #tpu.memory_space<vmem>>, %arg9: memref<96x128xf32, #tpu.memory_space<vmem>>, %arg10: memref<96x128xf32, #tpu.memory_space<vmem>>, %arg11: memref<10240x128xf32, #tpu.memory_space<vmem_shared>>, %arg12: memref<!tpu.dma_semaphore, #tpu.memory_space<semaphore_mem>>, %arg13: memref<!tpu.dma_semaphore, #tpu.memory_space<semaphore_mem>>, %arg14: memref<!tpu.dma_semaphore, #tpu.memory_space<semaphore_mem>>, %arg15: memref<!tpu.dma_semaphore, #tpu.memory_space<semaphore_mem>>) attributes {dimension_semantics = [#tpu.dimension_semantics<core_parallel>, #tpu.dimension_semantics<subcore_parallel>], iteration_bounds = array<i64: 2, 16>, scalar_prefetch = 0 : i64, scratch_operands = 10 : i64, tpu.core_type = #tpu.core_type<sc_vector_subcore>, window_params = [{transform_indices = #map}, {transform_indices = #map1}, {transform_indices = #map1}, {transform_indices = #map2}]} {
    %mul3A = arith.constant 16 : i32
    %mul3A_0 = arith.muli %arg0, %mul3A : i32
    %add3A = arith.addi %mul3A_0, %arg1 : i32
    %mul3A_1 = arith.constant 10080 : i32
    %mul3A_2 = arith.muli %add3A, %mul3A_1 : i32
    %broadcast_in_dim3A = arith.constant 0.000000e+00 : f32
    %broadcast_in_dim3A_3 = vector.broadcast %broadcast_in_dim3A : f32 to vector<16xf32>
    %broadcast_in_dim3A_4 = arith.constant 1.000000e+00 : f32
    %broadcast_in_dim3A_5 = vector.broadcast %broadcast_in_dim3A_4 : f32 to vector<16xf32>
    %scan3A = arith.constant 0 : i32
    %scan3A_6 = arith.constant 96 : i32
    %scan3A_7 = arith.addi %scan3A, %scan3A_6 : i32
    %scan3A_8 = arith.constant 1 : i32
    scf.for %scan3A_47 = %scan3A to %scan3A_7 step %scan3A_8  : i32 {
      %swap3A = arith.index_cast %scan3A_47 : i32 to index
      %swap3A_48 = arith.constant 0 : index
      %swap3A_49 = tpu.vector_load %arg9[%swap3A, %swap3A_48] {strides = array<i32>} : memref<96x128xf32, #tpu.memory_space<vmem>>, vector<1x16xf32>,
      %swap3A_50 = vector.shape_cast %swap3A_49 : vector<1x16xf32> to vector<16xf32>
      %swap3A_51 = vector.shape_cast %broadcast_in_dim3A_3 : vector<16xf32> to vector<1x16xf32>
      tpu.vector_store %arg9[%swap3A, %swap3A_48], %swap3A_51 {strides = array<i32>} : memref<96x128xf32, #tpu.memory_space<vmem>>, vector<1x16xf32>,
      %swap3A_52 = arith.index_cast %scan3A_47 : i32 to index
      %swap3A_53 = arith.constant 16 : index
      %swap3A_54 = tpu.vector_load %arg9[%swap3A_52, %swap3A_53] {strides = array<i32>} : memref<96x128xf32, #tpu.memory_space<vmem>>, vector<1x16xf32>,
      %swap3A_55 = vector.shape_cast %swap3A_54 : vector<1x16xf32> to vector<16xf32>
      %swap3A_56 = vector.shape_cast %broadcast_in_dim3A_3 : vector<16xf32> to vector<1x16xf32>
      tpu.vector_store %arg9[%swap3A_52, %swap3A_53], %swap3A_56 {strides = array<i32>} : memref<96x128xf32, #tpu.memory_space<vmem>>, vector<1x16xf32>,
      %swap3A_57 = arith.index_cast %scan3A_47 : i32 to index
      %swap3A_58 = arith.constant 32 : index
      %swap3A_59 = tpu.vector_load %arg9[%swap3A_57, %swap3A_58] {strides = array<i32>} : memref<96x128xf32, #tpu.memory_space<vmem>>, vector<1x16xf32>,
      %swap3A_60 = vector.shape_cast %swap3A_59 : vector<1x16xf32> to vector<16xf32>
      %swap3A_61 = vector.shape_cast %broadcast_in_dim3A_3 : vector<16xf32> to vector<1x16xf32>
      tpu.vector_store %arg9[%swap3A_57, %swap3A_58], %swap3A_61 {strides = array<i32>} : memref<96x128xf32, #tpu.memory_space<vmem>>, vector<1x16xf32>,
      %swap3A_62 = arith.index_cast %scan3A_47 : i32 to index
      %swap3A_63 = arith.constant 48 : index
      %swap3A_64 = tpu.vector_load %arg9[%swap3A_62, %swap3A_63] {strides = array<i32>} : memref<96x128xf32, #tpu.memory_space<vmem>>, vector<1x16xf32>,
      %swap3A_65 = vector.shape_cast %swap3A_64 : vector<1x16xf32> to vector<16xf32>
      %swap3A_66 = vector.shape_cast %broadcast_in_dim3A_3 : vector<16xf32> to vector<1x16xf32>
      tpu.vector_store %arg9[%swap3A_62, %swap3A_63], %swap3A_66 {strides = array<i32>} : memref<96x128xf32, #tpu.memory_space<vmem>>, vector<1x16xf32>,
      %swap3A_67 = arith.index_cast %scan3A_47 : i32 to index
      %swap3A_68 = arith.constant 64 : index
      %swap3A_69 = tpu.vector_load %arg9[%swap3A_67, %swap3A_68] {strides = array<i32>} : memref<96x128xf32, #tpu.memory_space<vmem>>, vector<1x16xf32>,
      %swap3A_70 = vector.shape_cast %swap3A_69 : vector<1x16xf32> to vector<16xf32>
      %swap3A_71 = vector.shape_cast %broadcast_in_dim3A_3 : vector<16xf32> to vector<1x16xf32>
      tpu.vector_store %arg9[%swap3A_67, %swap3A_68], %swap3A_71 {strides = array<i32>} : memref<96x128xf32, #tpu.memory_space<vmem>>, vector<1x16xf32>,
      %swap3A_72 = arith.index_cast %scan3A_47 : i32 to index
      %swap3A_73 = arith.constant 80 : index
      %swap3A_74 = tpu.vector_load %arg9[%swap3A_72, %swap3A_73] {strides = array<i32>} : memref<96x128xf32, #tpu.memory_space<vmem>>, vector<1x16xf32>,
      %swap3A_75 = vector.shape_cast %swap3A_74 : vector<1x16xf32> to vector<16xf32>
      %swap3A_76 = vector.shape_cast %broadcast_in_dim3A_3 : vector<16xf32> to vector<1x16xf32>
      tpu.vector_store %arg9[%swap3A_72, %swap3A_73], %swap3A_76 {strides = array<i32>} : memref<96x128xf32, #tpu.memory_space<vmem>>, vector<1x16xf32>,
      %swap3A_77 = arith.index_cast %scan3A_47 : i32 to index
      %swap3A_78 = arith.constant 96 : index
      %swap3A_79 = tpu.vector_load %arg9[%swap3A_77, %swap3A_78] {strides = array<i32>} : memref<96x128xf32, #tpu.memory_space<vmem>>, vector<1x16xf32>,
      %swap3A_80 = vector.shape_cast %swap3A_79 : vector<1x16xf32> to vector<16xf32>
      %swap3A_81 = vector.shape_cast %broadcast_in_dim3A_3 : vector<16xf32> to vector<1x16xf32>
      tpu.vector_store %arg9[%swap3A_77, %swap3A_78], %swap3A_81 {strides = array<i32>} : memref<96x128xf32, #tpu.memory_space<vmem>>, vector<1x16xf32>,
      %swap3A_82 = arith.index_cast %scan3A_47 : i32 to index
      %swap3A_83 = arith.constant 112 : index
      %swap3A_84 = tpu.vector_load %arg9[%swap3A_82, %swap3A_83] {strides = array<i32>} : memref<96x128xf32, #tpu.memory_space<vmem>>, vector<1x16xf32>,
      %swap3A_85 = vector.shape_cast %swap3A_84 : vector<1x16xf32> to vector<16xf32>
      %swap3A_86 = vector.shape_cast %broadcast_in_dim3A_3 : vector<16xf32> to vector<1x16xf32>
      tpu.vector_store %arg9[%swap3A_82, %swap3A_83], %swap3A_86 {strides = array<i32>} : memref<96x128xf32, #tpu.memory_space<vmem>>, vector<1x16xf32>,
    }
    %scan3A_9 = arith.constant 96 : i32
    %scan3A_10 = arith.constant 0 : i32
    %scan3A_11 = arith.constant 10 : i32
    %scan3A_12 = arith.addi %scan3A_10, %scan3A_11 : i32
    %scan3A_13 = arith.constant 1 : i32
    scf.for %scan3A_47 = %scan3A_10 to %scan3A_12 step %scan3A_13  : i32 {
      %mul3A_48 = arith.constant 10 : i32
      %mul3A_49 = arith.muli %arg1, %mul3A_48 : i32
      %add3A_50 = arith.addi %mul3A_49, %scan3A_47 : i32
      %mul3A_51 = arith.constant 64 : i32
      %mul3A_52 = arith.muli %add3A_50, %mul3A_51 : i32
      %dma_start3A_53 = arith.constant 0 : i32
      %dma_start3A_54 = arith.constant 0 : i32
      %dma_start3A_55 = tpu.memref_slice %arg9[%dma_start3A_53, %dma_start3A_54] : memref<96x128xf32, #tpu.memory_space<vmem>> -> memref<64x128xf32, #tpu.memory_space<vmem>>
      %dma_start3A_56 = arith.constant 0 : i32
      %dma_start3A_57 = tpu.memref_slice %arg11[%mul3A_52, %dma_start3A_56] : memref<10240x128xf32, #tpu.memory_space<vmem_shared>> -> memref<64x128xf32, #tpu.memory_space<vmem_shared>>
      %dma_start3A_58 = arith.constant 0 : i32
      %dma_start3A_59 = tpu.memref_slice %arg11[%mul3A_52, %dma_start3A_58] : memref<10240x128xf32, #tpu.memory_space<vmem_shared>> -> memref<64x128xf32, #tpu.memory_space<vmem_shared>>
      %dma_start3A_60 = arith.constant 0 : i32
      %dma_start3A_61 = arith.constant 0 : i32
      %dma_start3A_62 = tpu.memref_slice %arg9[%dma_start3A_60, %dma_start3A_61] : memref<96x128xf32, #tpu.memory_space<vmem>> -> memref<64x128xf32, #tpu.memory_space<vmem>>
      tpu.enqueue_dma source(%dma_start3A_62 : memref<64x128xf32, #tpu.memory_space<vmem>>) target(%dma_start3A_59 : memref<64x128xf32, #tpu.memory_space<vmem_shared>>) target_semaphore(%arg12 : memref<!tpu.dma_semaphore, #tpu.memory_space<semaphore_mem>>)
    }
    %scan3A_14 = arith.constant 10 : i32
    %scan3A_15 = arith.constant 0 : i32
    %scan3A_16 = arith.constant 10 : i32
    %scan3A_17 = arith.addi %scan3A_15, %scan3A_16 : i32
    %scan3A_18 = arith.constant 1 : i32
    scf.for %scan3A_47 = %scan3A_15 to %scan3A_17 step %scan3A_18  : i32 {
      %mul3A_48 = arith.constant 640 : i32
      %mul3A_49 = arith.muli %arg1, %mul3A_48 : i32
      %dma_wait3A = arith.constant 0 : i32
      %dma_wait3A_50 = arith.constant 0 : i32
      %dma_wait3A_51 = tpu.memref_slice %arg9[%dma_wait3A, %dma_wait3A_50] : memref<96x128xf32, #tpu.memory_space<vmem>> -> memref<64x128xf32, #tpu.memory_space<vmem>>
      %dma_wait3A_52 = arith.constant 0 : i32
      %dma_wait3A_53 = tpu.memref_slice %arg11[%mul3A_49, %dma_wait3A_52] : memref<10240x128xf32, #tpu.memory_space<vmem_shared>> -> memref<64x128xf32, #tpu.memory_space<vmem_shared>>
      %dma_wait3A_54 = arith.constant 0 : i32
      %dma_wait3A_55 = tpu.memref_slice %arg11[%mul3A_49, %dma_wait3A_54] : memref<10240x128xf32, #tpu.memory_space<vmem_shared>> -> memref<64x128xf32, #tpu.memory_space<vmem_shared>>
      %dma_wait3A_56 = arith.constant 0 : i32
      %dma_wait3A_57 = arith.constant 0 : i32
      %dma_wait3A_58 = tpu.memref_slice %arg9[%dma_wait3A_56, %dma_wait3A_57] : memref<96x128xf32, #tpu.memory_space<vmem>> -> memref<64x128xf32, #tpu.memory_space<vmem>>
      tpu.wait_dma2 semaphore(%arg12 : memref<!tpu.dma_semaphore, #tpu.memory_space<semaphore_mem>>) src(%dma_wait3A_58 : memref<64x128xf32, #tpu.memory_space<vmem>>) dst(%dma_wait3A_55 : memref<64x128xf32, #tpu.memory_space<vmem_shared>>)
    }
    %scan3A_19 = arith.constant 10 : i32
    "tpu.region"() ({
      %run_scoped3A = tpu.sem_alloc : memref<!tpu.dma_semaphore, #tpu.memory_space<semaphore_mem>>
      %dma_start3A_47 = tpu.memref_slice %arg3[%mul3A_2] : memref<322560xi32, #tpu.memory_space<hbm>> -> memref<10080xi32, #tpu.memory_space<hbm>>
      %dma_start3A_48 = tpu.memref_slice %arg3[%mul3A_2] : memref<322560xi32, #tpu.memory_space<hbm>> -> memref<10080xi32, #tpu.memory_space<hbm>>
      tpu.enqueue_dma source(%dma_start3A_48 : memref<10080xi32, #tpu.memory_space<hbm>>) target(%arg6 : memref<10080xi32, #tpu.memory_space<vmem>>) target_semaphore(%run_scoped3A : memref<!tpu.dma_semaphore, #tpu.memory_space<semaphore_mem>>)
      %dma_wait3A = tpu.memref_slice %arg3[%mul3A_2] : memref<322560xi32, #tpu.memory_space<hbm>> -> memref<10080xi32, #tpu.memory_space<hbm>>
      %dma_wait3A_49 = tpu.memref_slice %arg3[%mul3A_2] : memref<322560xi32, #tpu.memory_space<hbm>> -> memref<10080xi32, #tpu.memory_space<hbm>>
      tpu.wait_dma2 semaphore(%run_scoped3A : memref<!tpu.dma_semaphore, #tpu.memory_space<semaphore_mem>>) src(%dma_wait3A_49 : memref<10080xi32, #tpu.memory_space<hbm>>) dst(%arg6 : memref<10080xi32, #tpu.memory_space<vmem>>)
      tpu.yield
    }) : () -> ()
    %barrier3A = arith.constant 0 : index
    tpu.barrier barrier_id(%barrier3A)
    %add3A_20 = arith.constant 0 : i32
    %add3A_21 = arith.addi %mul3A_2, %add3A_20 : i32
    %dma_start3A = tpu.memref_slice %arg4[%add3A_21] : memref<322560xi32, #tpu.memory_space<hbm>> -> memref<96xi32, #tpu.memory_space<hbm>>
    %dma_start3A_22 = tpu.memref_slice %arg4[%add3A_21] : memref<322560xi32, #tpu.memory_space<hbm>> -> memref<96xi32, #tpu.memory_space<hbm>>
    tpu.enqueue_dma source(%dma_start3A_22 : memref<96xi32, #tpu.memory_space<hbm>>) target(%arg7 : memref<96xi32, #tpu.memory_space<vmem>>) target_semaphore(%arg14 : memref<!tpu.dma_semaphore, #tpu.memory_space<semaphore_mem>>)
    %dma_start3A_23 = arith.constant 0 : i32
    %dma_start3A_24 = tpu.memref_slice %arg6[%dma_start3A_23] : memref<10080xi32, #tpu.memory_space<vmem>> -> memref<96xi32, #tpu.memory_space<vmem>>
    %dma_start3A_25 = arith.constant 0 : i32
    %dma_start3A_26 = arith.constant 0 : i32
    %dma_start3A_27 = tpu.memref_slice %arg2[%dma_start3A_25, %dma_start3A_26] : memref<10240x128xf32, #tpu.memory_space<hbm>> -> memref<10240x128xf32, #tpu.memory_space<hbm>>
    tpu.enqueue_indirect_dma source(%dma_start3A_27 : memref<10240x128xf32, #tpu.memory_space<hbm>>) target(%arg9 : memref<96x128xf32, #tpu.memory_space<vmem>>) offsets(%dma_start3A_24 : memref<96xi32, #tpu.memory_space<vmem>>) semaphore(%arg12 : memref<!tpu.dma_semaphore, #tpu.memory_space<semaphore_mem>>)
    %add3A_28 = arith.constant 96 : i32
    %add3A_29 = arith.addi %mul3A_2, %add3A_28 : i32
    %dma_start3A_30 = tpu.memref_slice %arg4[%add3A_29] : memref<322560xi32, #tpu.memory_space<hbm>> -> memref<96xi32, #tpu.memory_space<hbm>>
    %dma_start3A_31 = tpu.memref_slice %arg4[%add3A_29] : memref<322560xi32, #tpu.memory_space<hbm>> -> memref<96xi32, #tpu.memory_space<hbm>>
    tpu.enqueue_dma source(%dma_start3A_31 : memref<96xi32, #tpu.memory_space<hbm>>) target(%arg8 : memref<96xi32, #tpu.memory_space<vmem>>) target_semaphore(%arg15 : memref<!tpu.dma_semaphore, #tpu.memory_space<semaphore_mem>>)
    %dma_start3A_32 = arith.constant 96 : i32
    %dma_start3A_33 = tpu.memref_slice %arg6[%dma_start3A_32] : memref<10080xi32, #tpu.memory_space<vmem>> -> memref<96xi32, #tpu.memory_space<vmem>>
    %dma_start3A_34 = arith.constant 0 : i32
    %dma_start3A_35 = arith.constant 0 : i32
    %dma_start3A_36 = tpu.memref_slice %arg2[%dma_start3A_34, %dma_start3A_35] : memref<10240x128xf32, #tpu.memory_space<hbm>> -> memref<10240x128xf32, #tpu.memory_space<hbm>>
    tpu.enqueue_indirect_dma source(%dma_start3A_36 : memref<10240x128xf32, #tpu.memory_space<hbm>>) target(%arg10 : memref<96x128xf32, #tpu.memory_space<vmem>>) offsets(%dma_start3A_33 : memref<96xi32, #tpu.memory_space<vmem>>) semaphore(%arg13 : memref<!tpu.dma_semaphore, #tpu.memory_space<semaphore_mem>>)
    %scan3A_37 = arith.constant 0 : i32
    %scan3A_38 = arith.constant 53 : i32
    %scan3A_39 = arith.addi %scan3A_37, %scan3A_38 : i32
    %scan3A_40 = arith.constant 1 : i32
    scf.for %scan3A_47 = %scan3A_37 to %scan3A_39 step %scan3A_40  : i32 {
      %mul3A_48 = arith.constant 2 : i32
      %mul3A_49 = arith.muli %mul3A_48, %scan3A_47 : i32
      %add3A_50 = arith.constant 0 : i32
      %add3A_51 = arith.addi %mul3A_49, %add3A_50 : i32
      %lt3A = arith.constant 105 : i32
      %lt3A_52 = arith.cmpi slt, %add3A_51, %lt3A : i32
      %convert_element_type3A = arith.extui %lt3A_52 : i1 to i32
      %cond3A = arith.constant 0 : i32
      %cond3A_53 = arith.cmpi ne, %convert_element_type3A, %cond3A : i32
      scf.if %cond3A_53 {
        %dma_wait3A = arith.constant 0 : i32
        %dma_wait3A_63 = tpu.memref_slice %arg4[%dma_wait3A] : memref<322560xi32, #tpu.memory_space<hbm>> -> memref<96xi32, #tpu.memory_space<hbm>>
        %dma_wait3A_64 = arith.constant 0 : i32
        %dma_wait3A_65 = tpu.memref_slice %arg4[%dma_wait3A_64] : memref<322560xi32, #tpu.memory_space<hbm>> -> memref<96xi32, #tpu.memory_space<hbm>>
        tpu.wait_dma2 semaphore(%arg14 : memref<!tpu.dma_semaphore, #tpu.memory_space<semaphore_mem>>) src(%dma_wait3A_65 : memref<96xi32, #tpu.memory_space<hbm>>) dst(%arg7 : memref<96xi32, #tpu.memory_space<vmem>>)
        %dma_wait3A_66 = arith.constant 0 : i32
        %dma_wait3A_67 = arith.constant 0 : i32
        %dma_wait3A_68 = tpu.memref_slice %arg2[%dma_wait3A_66, %dma_wait3A_67] : memref<10240x128xf32, #tpu.memory_space<hbm>> -> memref<96x128xf32, #tpu.memory_space<hbm>>
        %dma_wait3A_69 = arith.constant 0 : i32
        %dma_wait3A_70 = arith.constant 0 : i32
        %dma_wait3A_71 = tpu.memref_slice %arg2[%dma_wait3A_69, %dma_wait3A_70] : memref<10240x128xf32, #tpu.memory_space<hbm>> -> memref<96x128xf32, #tpu.memory_space<hbm>>
        tpu.wait_dma2 semaphore(%arg12 : memref<!tpu.dma_semaphore, #tpu.memory_space<semaphore_mem>>) src(%dma_wait3A_71 : memref<96x128xf32, #tpu.memory_space<hbm>>) dst(%arg9 : memref<96x128xf32, #tpu.memory_space<vmem>>)
        "tpu.region"() ({
          %run_scoped3A = tpu.sem_alloc : memref<!tpu.dma_semaphore, #tpu.memory_space<semaphore_mem>>
          %dma_start3A_79 = arith.constant 0 : i32
          %dma_start3A_80 = arith.constant 0 : i32
          %dma_start3A_81 = tpu.memref_slice %arg11[%dma_start3A_79, %dma_start3A_80] : memref<10240x128xf32, #tpu.memory_space<vmem_shared>> -> memref<10240x128xf32, #tpu.memory_space<vmem_shared>>
          tpu.enqueue_indirect_dma source(%arg9 : memref<96x128xf32, #tpu.memory_space<vmem>>) target(%dma_start3A_81 : memref<10240x128xf32, #tpu.memory_space<vmem_shared>>) offsets(%arg7 : memref<96xi32, #tpu.memory_space<vmem>>) semaphore(%run_scoped3A : memref<!tpu.dma_semaphore, #tpu.memory_space<semaphore_mem>>) {add = true}
          %dma_wait3A_82 = arith.constant 0 : i32
          %dma_wait3A_83 = arith.constant 0 : i32
          %dma_wait3A_84 = tpu.memref_slice %arg11[%dma_wait3A_82, %dma_wait3A_83] : memref<10240x128xf32, #tpu.memory_space<vmem_shared>> -> memref<10240x128xf32, #tpu.memory_space<vmem_shared>>
          tpu.wait_indirect_dma semaphore(%run_scoped3A : memref<!tpu.dma_semaphore, #tpu.memory_space<semaphore_mem>>) src(%arg9 : memref<96x128xf32, #tpu.memory_space<vmem>>) dst(%dma_wait3A_84 : memref<10240x128xf32, #tpu.memory_space<vmem_shared>>)
          tpu.yield
        }) : () -> ()
        %add3A_72 = arith.constant 2 : i32
        %add3A_73 = arith.addi %add3A_51, %add3A_72 : i32
        %lt3A_74 = arith.constant 105 : i32
        %lt3A_75 = arith.cmpi slt, %add3A_73, %lt3A_74 : i32
        %convert_element_type3A_76 = arith.extui %lt3A_75 : i1 to i32
        %cond3A_77 = arith.constant 0 : i32
        %cond3A_78 = arith.cmpi ne, %convert_element_type3A_76, %cond3A_77 : i32
        scf.if %cond3A_78 {
          %add3A_79 = arith.constant 2 : i32
          %add3A_80 = arith.addi %add3A_51, %add3A_79 : i32
          %mul3A_81 = arith.constant 96 : i32
          %mul3A_82 = arith.muli %add3A_80, %mul3A_81 : i32
          %add3A_83 = arith.addi %mul3A_2, %mul3A_82 : i32
          %dma_start3A_84 = tpu.memref_slice %arg4[%add3A_83] : memref<322560xi32, #tpu.memory_space<hbm>> -> memref<96xi32, #tpu.memory_space<hbm>>
          %dma_start3A_85 = tpu.memref_slice %arg4[%add3A_83] : memref<322560xi32, #tpu.memory_space<hbm>> -> memref<96xi32, #tpu.memory_space<hbm>>
          tpu.enqueue_dma source(%dma_start3A_85 : memref<96xi32, #tpu.memory_space<hbm>>) target(%arg7 : memref<96xi32, #tpu.memory_space<vmem>>) target_semaphore(%arg14 : memref<!tpu.dma_semaphore, #tpu.memory_space<semaphore_mem>>)
          %mul3A_86 = arith.constant 96 : i32
          %mul3A_87 = arith.muli %add3A_80, %mul3A_86 : i32
          %dma_start3A_88 = tpu.memref_slice %arg6[%mul3A_87] : memref<10080xi32, #tpu.memory_space<vmem>> -> memref<96xi32, #tpu.memory_space<vmem>>
          %dma_start3A_89 = arith.constant 0 : i32
          %dma_start3A_90 = arith.constant 0 : i32
          %dma_start3A_91 = tpu.memref_slice %arg2[%dma_start3A_89, %dma_start3A_90] : memref<10240x128xf32, #tpu.memory_space<hbm>> -> memref<10240x128xf32, #tpu.memory_space<hbm>>
          tpu.enqueue_indirect_dma source(%dma_start3A_91 : memref<10240x128xf32, #tpu.memory_space<hbm>>) target(%arg9 : memref<96x128xf32, #tpu.memory_space<vmem>>) offsets(%dma_start3A_88 : memref<96xi32, #tpu.memory_space<vmem>>) semaphore(%arg12 : memref<!tpu.dma_semaphore, #tpu.memory_space<semaphore_mem>>)
        } else {
        }
      } else {
      }
      %mul3A_54 = arith.constant 2 : i32
      %mul3A_55 = arith.muli %mul3A_54, %scan3A_47 : i32
      %add3A_56 = arith.constant 1 : i32
      %add3A_57 = arith.addi %mul3A_55, %add3A_56 : i32
      %lt3A_58 = arith.constant 105 : i32
      %lt3A_59 = arith.cmpi slt, %add3A_57, %lt3A_58 : i32
      %convert_element_type3A_60 = arith.extui %lt3A_59 : i1 to i32
      %cond3A_61 = arith.constant 0 : i32
      %cond3A_62 = arith.cmpi ne, %convert_element_type3A_60, %cond3A_61 : i32
      scf.if %cond3A_62 {
        %dma_wait3A = arith.constant 0 : i32
        %dma_wait3A_63 = tpu.memref_slice %arg4[%dma_wait3A] : memref<322560xi32, #tpu.memory_space<hbm>> -> memref<96xi32, #tpu.memory_space<hbm>>
        %dma_wait3A_64 = arith.constant 0 : i32
        %dma_wait3A_65 = tpu.memref_slice %arg4[%dma_wait3A_64] : memref<322560xi32, #tpu.memory_space<hbm>> -> memref<96xi32, #tpu.memory_space<hbm>>
        tpu.wait_dma2 semaphore(%arg15 : memref<!tpu.dma_semaphore, #tpu.memory_space<semaphore_mem>>) src(%dma_wait3A_65 : memref<96xi32, #tpu.memory_space<hbm>>) dst(%arg8 : memref<96xi32, #tpu.memory_space<vmem>>)
        %dma_wait3A_66 = arith.constant 0 : i32
        %dma_wait3A_67 = arith.constant 0 : i32
        %dma_wait3A_68 = tpu.memref_slice %arg2[%dma_wait3A_66, %dma_wait3A_67] : memref<10240x128xf32, #tpu.memory_space<hbm>> -> memref<96x128xf32, #tpu.memory_space<hbm>>
        %dma_wait3A_69 = arith.constant 0 : i32
        %dma_wait3A_70 = arith.constant 0 : i32
        %dma_wait3A_71 = tpu.memref_slice %arg2[%dma_wait3A_69, %dma_wait3A_70] : memref<10240x128xf32, #tpu.memory_space<hbm>> -> memref<96x128xf32, #tpu.memory_space<hbm>>
        tpu.wait_dma2 semaphore(%arg13 : memref<!tpu.dma_semaphore, #tpu.memory_space<semaphore_mem>>) src(%dma_wait3A_71 : memref<96x128xf32, #tpu.memory_space<hbm>>) dst(%arg10 : memref<96x128xf32, #tpu.memory_space<vmem>>)
        "tpu.region"() ({
          %run_scoped3A = tpu.sem_alloc : memref<!tpu.dma_semaphore, #tpu.memory_space<semaphore_mem>>
          %dma_start3A_79 = arith.constant 0 : i32
          %dma_start3A_80 = arith.constant 0 : i32
          %dma_start3A_81 = tpu.memref_slice %arg11[%dma_start3A_79, %dma_start3A_80] : memref<10240x128xf32, #tpu.memory_space<vmem_shared>> -> memref<10240x128xf32, #tpu.memory_space<vmem_shared>>
          tpu.enqueue_indirect_dma source(%arg10 : memref<96x128xf32, #tpu.memory_space<vmem>>) target(%dma_start3A_81 : memref<10240x128xf32, #tpu.memory_space<vmem_shared>>) offsets(%arg8 : memref<96xi32, #tpu.memory_space<vmem>>) semaphore(%run_scoped3A : memref<!tpu.dma_semaphore, #tpu.memory_space<semaphore_mem>>) {add = true}
          %dma_wait3A_82 = arith.constant 0 : i32
          %dma_wait3A_83 = arith.constant 0 : i32
          %dma_wait3A_84 = tpu.memref_slice %arg11[%dma_wait3A_82, %dma_wait3A_83] : memref<10240x128xf32, #tpu.memory_space<vmem_shared>> -> memref<10240x128xf32, #tpu.memory_space<vmem_shared>>
          tpu.wait_indirect_dma semaphore(%run_scoped3A : memref<!tpu.dma_semaphore, #tpu.memory_space<semaphore_mem>>) src(%arg10 : memref<96x128xf32, #tpu.memory_space<vmem>>) dst(%dma_wait3A_84 : memref<10240x128xf32, #tpu.memory_space<vmem_shared>>)
          tpu.yield
        }) : () -> ()
        %add3A_72 = arith.constant 2 : i32
        %add3A_73 = arith.addi %add3A_57, %add3A_72 : i32
        %lt3A_74 = arith.constant 105 : i32
        %lt3A_75 = arith.cmpi slt, %add3A_73, %lt3A_74 : i32
        %convert_element_type3A_76 = arith.extui %lt3A_75 : i1 to i32
        %cond3A_77 = arith.constant 0 : i32
        %cond3A_78 = arith.cmpi ne, %convert_element_type3A_76, %cond3A_77 : i32
        scf.if %cond3A_78 {
          %add3A_79 = arith.constant 2 : i32
          %add3A_80 = arith.addi %add3A_57, %add3A_79 : i32
          %mul3A_81 = arith.constant 96 : i32
          %mul3A_82 = arith.muli %add3A_80, %mul3A_81 : i32
          %add3A_83 = arith.addi %mul3A_2, %mul3A_82 : i32
          %dma_start3A_84 = tpu.memref_slice %arg4[%add3A_83] : memref<322560xi32, #tpu.memory_space<hbm>> -> memref<96xi32, #tpu.memory_space<hbm>>
          %dma_start3A_85 = tpu.memref_slice %arg4[%add3A_83] : memref<322560xi32, #tpu.memory_space<hbm>> -> memref<96xi32, #tpu.memory_space<hbm>>
          tpu.enqueue_dma source(%dma_start3A_85 : memref<96xi32, #tpu.memory_space<hbm>>) target(%arg8 : memref<96xi32, #tpu.memory_space<vmem>>) target_semaphore(%arg15 : memref<!tpu.dma_semaphore, #tpu.memory_space<semaphore_mem>>)
          %mul3A_86 = arith.constant 96 : i32
          %mul3A_87 = arith.muli %add3A_80, %mul3A_86 : i32
          %dma_start3A_88 = tpu.memref_slice %arg6[%mul3A_87] : memref<10080xi32, #tpu.memory_space<vmem>> -> memref<96xi32, #tpu.memory_space<vmem>>
          %dma_start3A_89 = arith.constant 0 : i32
          %dma_start3A_90 = arith.constant 0 : i32
          %dma_start3A_91 = tpu.memref_slice %arg2[%dma_start3A_89, %dma_start3A_90] : memref<10240x128xf32, #tpu.memory_space<hbm>> -> memref<10240x128xf32, #tpu.memory_space<hbm>>
          tpu.enqueue_indirect_dma source(%dma_start3A_91 : memref<10240x128xf32, #tpu.memory_space<hbm>>) target(%arg10 : memref<96x128xf32, #tpu.memory_space<vmem>>) offsets(%dma_start3A_88 : memref<96xi32, #tpu.memory_space<vmem>>) semaphore(%arg13 : memref<!tpu.dma_semaphore, #tpu.memory_space<semaphore_mem>>)
        } else {
        }
      } else {
      }
    }
    %scan3A_41 = arith.constant 53 : i32
    %barrier3A_42 = arith.constant 0 : index
    tpu.barrier barrier_id(%barrier3A_42)
    %mul3A_43 = arith.constant 640 : i32
    %mul3A_44 = arith.muli %arg1, %mul3A_43 : i32
    %mul3A_45 = arith.constant 640 : i32
    %mul3A_46 = arith.muli %arg1, %mul3A_45 : i32
    "tpu.region"() ({
      %run_scoped3A = tpu.sem_alloc : memref<!tpu.dma_semaphore, #tpu.memory_space<semaphore_mem>>
      %dma_start3A_47 = arith.constant 0 : i32
      %dma_start3A_48 = tpu.memref_slice %arg5[%arg0, %mul3A_46, %dma_start3A_47] : memref<2x10240x128xf32, #tpu.memory_space<hbm>> -> memref<1x640x128xf32, #tpu.memory_space<hbm>>
      %dma_start3A_49 = tpu.memref_squeeze %dma_start3A_48 : memref<1x640x128xf32, #tpu.memory_space<hbm>> -> memref<640x128xf32, #tpu.memory_space<hbm>>
      %dma_start3A_50 = arith.constant 0 : i32
      %dma_start3A_51 = tpu.memref_slice %arg11[%mul3A_44, %dma_start3A_50] : memref<10240x128xf32, #tpu.memory_space<vmem_shared>> -> memref<640x128xf32, #tpu.memory_space<vmem_shared>>
      tpu.enqueue_dma source(%dma_start3A_51 : memref<640x128xf32, #tpu.memory_space<vmem_shared>>) target(%dma_start3A_49 : memref<640x128xf32, #tpu.memory_space<hbm>>) target_semaphore(%run_scoped3A : memref<!tpu.dma_semaphore, #tpu.memory_space<semaphore_mem>>)
      %dma_wait3A = arith.constant 0 : i32
      %dma_wait3A_52 = tpu.memref_slice %arg5[%arg0, %mul3A_46, %dma_wait3A] : memref<2x10240x128xf32, #tpu.memory_space<hbm>> -> memref<1x640x128xf32, #tpu.memory_space<hbm>>
      %dma_wait3A_53 = tpu.memref_squeeze %dma_wait3A_52 : memref<1x640x128xf32, #tpu.memory_space<hbm>> -> memref<640x128xf32, #tpu.memory_space<hbm>>
      %dma_wait3A_54 = arith.constant 0 : i32
      %dma_wait3A_55 = tpu.memref_slice %arg11[%mul3A_44, %dma_wait3A_54] : memref<10240x128xf32, #tpu.memory_space<vmem_shared>> -> memref<640x128xf32, #tpu.memory_space<vmem_shared>>
      tpu.wait_dma2 semaphore(%run_scoped3A : memref<!tpu.dma_semaphore, #tpu.memory_space<semaphore_mem>>) src(%dma_wait3A_55 : memref<640x128xf32, #tpu.memory_space<vmem_shared>>) dst(%dma_wait3A_53 : memref<640x128xf32, #tpu.memory_space<hbm>>)
      tpu.yield
    }) : () -> ()
    return
  }
}

module attributes {stable_mosaic.version = 14 : i64} {
  func.func @_dense1_body(%arg0: i32, %arg1: memref<2x1024x128xf32, #tpu.memory_space<vmem>>, %arg2: memref<2x1024xf32, #tpu.memory_space<vmem>>, %arg3: memref<1024x128xf32, #tpu.memory_space<vmem>>, %arg4: memref<128x128xf32, #tpu.memory_space<vmem>>, %arg5: memref<128x128xf32, #tpu.memory_space<vmem>>, %arg6: memref<1x128xf32, #tpu.memory_space<vmem>>, %arg7: memref<1024x128xf32, #tpu.memory_space<vmem>>) attributes {dimension_semantics = [#tpu.dimension_semantics<arbitrary>], iteration_bounds = array<i64: 10>, scalar_prefetch = 0 : i64, scratch_operands = 0 : i64, tpu.core_type = #tpu.core_type<tc>, window_params = [{transform_indices = @transform_0, window_bounds = array<i64: 2, 1024, 128>}, {transform_indices = @transform_1, window_bounds = array<i64: 2, 1024>}, {transform_indices = @transform_2, window_bounds = array<i64: 1024, 128>}, {pipeline_mode = #tpu.pipeline_mode<synchronous>, transform_indices = @transform_3, window_bounds = array<i64: 128, 128>}, {pipeline_mode = #tpu.pipeline_mode<synchronous>, transform_indices = @transform_4, window_bounds = array<i64: 128, 128>}, {pipeline_mode = #tpu.pipeline_mode<synchronous>, transform_indices = @transform_5, window_bounds = array<i64: 1, 128>}, {transform_indices = @transform_6, window_bounds = array<i64: 1024, 128>}]} {
    %get3A = arith.constant 0 : index
    %get3A_0 = arith.constant 0 : index
    %get3A_1 = arith.constant 0 : index
    %get3A_2 = vector.load %arg1[%get3A, %get3A_0, %get3A_1] : memref<2x1024x128xf32, #tpu.memory_space<vmem>>, vector<1x1024x128xf32>
    %get3A_3 = vector.shape_cast %get3A_2 : vector<1x1024x128xf32> to vector<1024x128xf32>
    %get3A_4 = arith.constant 1 : index
    %get3A_5 = arith.constant 0 : index
    %get3A_6 = arith.constant 0 : index
    %get3A_7 = vector.load %arg1[%get3A_4, %get3A_5, %get3A_6] : memref<2x1024x128xf32, #tpu.memory_space<vmem>>, vector<1x1024x128xf32>
    %get3A_8 = vector.shape_cast %get3A_7 : vector<1x1024x128xf32> to vector<1024x128xf32>
    %add3A = arith.addf %get3A_3, %get3A_8 : vector<1024x128xf32>
    %get3A_9 = arith.constant 0 : index
    %get3A_10 = arith.constant 0 : index
    %get3A_11 = vector.load %arg2[%get3A_9, %get3A_10] : memref<2x1024xf32, #tpu.memory_space<vmem>>, vector<1x1024xf32>
    %get3A_12 = vector.shape_cast %get3A_11 : vector<1x1024xf32> to vector<1024xf32>
    %get3A_13 = arith.constant 1 : index
    %get3A_14 = arith.constant 0 : index
    %get3A_15 = vector.load %arg2[%get3A_13, %get3A_14] : memref<2x1024xf32, #tpu.memory_space<vmem>>, vector<1x1024xf32>
    %get3A_16 = vector.shape_cast %get3A_15 : vector<1x1024xf32> to vector<1024xf32>
    %add3A_17 = arith.addf %get3A_12, %get3A_16 : vector<1024xf32>
    %max3A = arith.constant 1.000000e+00 : f32
    %max3A_18 = vector.broadcast %max3A : f32 to vector<1024xf32>
    %max3A_19 = arith.maximumf %add3A_17, %max3A_18 : vector<1024xf32>
    %div3A = arith.constant 1.000000e+00 : f32
    %div3A_20 = vector.broadcast %div3A : f32 to vector<1024xf32>
    %div3A_21 = arith.divf %div3A_20, %max3A_19 : vector<1024xf32>
    %broadcast_in_dim3A = vector.shape_cast %div3A_21 : vector<1024xf32> to vector<1024x1xf32>
    %mul3A = vector.broadcast %broadcast_in_dim3A : vector<1024x1xf32> to vector<1024x128xf32>
    %mul3A_22 = arith.mulf %add3A, %mul3A : vector<1024x128xf32>
    %get3A_23 = arith.constant 0 : index
    %get3A_24 = arith.constant 0 : index
    %get3A_25 = vector.load %arg4[%get3A_23, %get3A_24] : memref<128x128xf32, #tpu.memory_space<vmem>>, vector<128x128xf32>
    %dot_general3A = arith.constant dense<0.000000e+00> : vector<1024x128xf32>
    %dot_general3A_26 = tpu.matmul %mul3A_22, %get3A_25, %dot_general3A {dimension_numbers = #tpu.dot_dimension_numbers<[1], [0], [0], [1], [0, 0, 1, 1], [], []>, precision = #tpu.contract_precision<fp32>, transpose_lhs_hint = false} : vector<1024x128xf32>, vector<128x128xf32>, vector<1024x128xf32> -> vector<1024x128xf32>
    %get3A_27 = arith.constant 0 : index
    %get3A_28 = arith.constant 0 : index
    %get3A_29 = vector.load %arg3[%get3A_27, %get3A_28] : memref<1024x128xf32, #tpu.memory_space<vmem>>, vector<1024x128xf32>
    %get3A_30 = arith.constant 0 : index
    %get3A_31 = arith.constant 0 : index
    %get3A_32 = vector.load %arg5[%get3A_30, %get3A_31] : memref<128x128xf32, #tpu.memory_space<vmem>>, vector<128x128xf32>
    %dot_general3A_33 = arith.constant dense<0.000000e+00> : vector<1024x128xf32>
    %dot_general3A_34 = tpu.matmul %get3A_29, %get3A_32, %dot_general3A_33 {dimension_numbers = #tpu.dot_dimension_numbers<[1], [0], [0], [1], [0, 0, 1, 1], [], []>, precision = #tpu.contract_precision<fp32>, transpose_lhs_hint = false} : vector<1024x128xf32>, vector<128x128xf32>, vector<1024x128xf32> -> vector<1024x128xf32>
    %add3A_35 = arith.addf %dot_general3A_26, %dot_general3A_34 : vector<1024x128xf32>
    %get3A_36 = arith.constant 0 : index
    %get3A_37 = arith.constant 0 : index
    %get3A_38 = vector.load %arg6[%get3A_36, %get3A_37] : memref<1x128xf32, #tpu.memory_space<vmem>>, vector<1x128xf32>
    %add3A_39 = vector.broadcast %get3A_38 : vector<1x128xf32> to vector<1024x128xf32>
    %add3A_40 = arith.addf %add3A_35, %add3A_39 : vector<1024x128xf32>
    %max3A_41 = arith.constant 0.000000e+00 : f32
    %max3A_42 = vector.broadcast %max3A_41 : f32 to vector<1024x128xf32>
    %max3A_43 = arith.maximumf %add3A_40, %max3A_42 : vector<1024x128xf32>
    %swap3A = arith.constant 0 : index
    %swap3A_44 = arith.constant 0 : index
    %swap3A_45 = vector.load %arg7[%swap3A, %swap3A_44] : memref<1024x128xf32, #tpu.memory_space<vmem>>, vector<1024x128xf32>
    tpu.vector_store %arg7[%swap3A, %swap3A_44], %max3A_43 {strides = array<i32>} : memref<1024x128xf32, #tpu.memory_space<vmem>>, vector<1024x128xf32>,
    return
  }
  func.func @transform_0(%arg0: i32) -> (i32, i32, i32) {
    %c0_i32 = arith.constant 0 : i32
    %c0_i32_0 = arith.constant 0 : i32
    %c0_i32_1 = arith.constant 0 : i32
    return %c0_i32, %arg0, %c0_i32_0 : i32, i32, i32
  }
  func.func @transform_1(%arg0: i32) -> (i32, i32) {
    %c0_i32 = arith.constant 0 : i32
    %c0_i32_0 = arith.constant 0 : i32
    return %c0_i32, %arg0 : i32, i32
  }
  func.func @transform_2(%arg0: i32) -> (i32, i32) {
    %c0_i32 = arith.constant 0 : i32
    %c0_i32_0 = arith.constant 0 : i32
    return %arg0, %c0_i32 : i32, i32
  }
  func.func @transform_3(%arg0: i32) -> (i32, i32) {
    %c0_i32 = arith.constant 0 : i32
    %c0_i32_0 = arith.constant 0 : i32
    %c0_i32_1 = arith.constant 0 : i32
    return %c0_i32, %c0_i32_0 : i32, i32
  }
  func.func @transform_4(%arg0: i32) -> (i32, i32) {
    %c0_i32 = arith.constant 0 : i32
    %c0_i32_0 = arith.constant 0 : i32
    %c0_i32_1 = arith.constant 0 : i32
    return %c0_i32, %c0_i32_0 : i32, i32
  }
  func.func @transform_5(%arg0: i32) -> (i32, i32) {
    %c0_i32 = arith.constant 0 : i32
    %c0_i32_0 = arith.constant 0 : i32
    %c0_i32_1 = arith.constant 0 : i32
    return %c0_i32, %c0_i32_0 : i32, i32
  }
  func.func @transform_6(%arg0: i32) -> (i32, i32) {
    %c0_i32 = arith.constant 0 : i32
    %c0_i32_0 = arith.constant 0 : i32
    return %arg0, %c0_i32 : i32, i32
  }
}

module attributes {stable_mosaic.version = 14 : i64} {
  func.func @_dense2_body(%arg0: i32, %arg1: memref<2x1024x128xf32, #tpu.memory_space<vmem>>, %arg2: memref<2x1024xf32, #tpu.memory_space<vmem>>, %arg3: memref<1024x128xf32, #tpu.memory_space<vmem>>, %arg4: memref<128x128xf32, #tpu.memory_space<vmem>>, %arg5: memref<128x128xf32, #tpu.memory_space<vmem>>, %arg6: memref<1x128xf32, #tpu.memory_space<vmem>>, %arg7: memref<128x64xf32, #tpu.memory_space<vmem>>, %arg8: memref<1x64xf32, #tpu.memory_space<vmem>>, %arg9: memref<1024x64xf32, #tpu.memory_space<vmem>>) attributes {dimension_semantics = [#tpu.dimension_semantics<arbitrary>], iteration_bounds = array<i64: 10>, scalar_prefetch = 0 : i64, scratch_operands = 0 : i64, tpu.core_type = #tpu.core_type<tc>, window_params = [{transform_indices = @transform_0, window_bounds = array<i64: 2, 1024, 128>}, {transform_indices = @transform_1, window_bounds = array<i64: 2, 1024>}, {transform_indices = @transform_2, window_bounds = array<i64: 1024, 128>}, {pipeline_mode = #tpu.pipeline_mode<synchronous>, transform_indices = @transform_3, window_bounds = array<i64: 128, 128>}, {pipeline_mode = #tpu.pipeline_mode<synchronous>, transform_indices = @transform_4, window_bounds = array<i64: 128, 128>}, {pipeline_mode = #tpu.pipeline_mode<synchronous>, transform_indices = @transform_5, window_bounds = array<i64: 1, 128>}, {pipeline_mode = #tpu.pipeline_mode<synchronous>, transform_indices = @transform_6, window_bounds = array<i64: 128, 64>}, {pipeline_mode = #tpu.pipeline_mode<synchronous>, transform_indices = @transform_7, window_bounds = array<i64: 1, 64>}, {transform_indices = @transform_8, window_bounds = array<i64: 1024, 64>}]} {
    %get3A = arith.constant 0 : index
    %get3A_0 = arith.constant 0 : index
    %get3A_1 = arith.constant 0 : index
    %get3A_2 = vector.load %arg1[%get3A, %get3A_0, %get3A_1] : memref<2x1024x128xf32, #tpu.memory_space<vmem>>, vector<1x1024x128xf32>
    %get3A_3 = vector.shape_cast %get3A_2 : vector<1x1024x128xf32> to vector<1024x128xf32>
    %get3A_4 = arith.constant 1 : index
    %get3A_5 = arith.constant 0 : index
    %get3A_6 = arith.constant 0 : index
    %get3A_7 = vector.load %arg1[%get3A_4, %get3A_5, %get3A_6] : memref<2x1024x128xf32, #tpu.memory_space<vmem>>, vector<1x1024x128xf32>
    %get3A_8 = vector.shape_cast %get3A_7 : vector<1x1024x128xf32> to vector<1024x128xf32>
    %add3A = arith.addf %get3A_3, %get3A_8 : vector<1024x128xf32>
    %get3A_9 = arith.constant 0 : index
    %get3A_10 = arith.constant 0 : index
    %get3A_11 = vector.load %arg2[%get3A_9, %get3A_10] : memref<2x1024xf32, #tpu.memory_space<vmem>>, vector<1x1024xf32>
    %get3A_12 = vector.shape_cast %get3A_11 : vector<1x1024xf32> to vector<1024xf32>
    %get3A_13 = arith.constant 1 : index
    %get3A_14 = arith.constant 0 : index
    %get3A_15 = vector.load %arg2[%get3A_13, %get3A_14] : memref<2x1024xf32, #tpu.memory_space<vmem>>, vector<1x1024xf32>
    %get3A_16 = vector.shape_cast %get3A_15 : vector<1x1024xf32> to vector<1024xf32>
    %add3A_17 = arith.addf %get3A_12, %get3A_16 : vector<1024xf32>
    %max3A = arith.constant 1.000000e+00 : f32
    %max3A_18 = vector.broadcast %max3A : f32 to vector<1024xf32>
    %max3A_19 = arith.maximumf %add3A_17, %max3A_18 : vector<1024xf32>
    %div3A = arith.constant 1.000000e+00 : f32
    %div3A_20 = vector.broadcast %div3A : f32 to vector<1024xf32>
    %div3A_21 = arith.divf %div3A_20, %max3A_19 : vector<1024xf32>
    %broadcast_in_dim3A = vector.shape_cast %div3A_21 : vector<1024xf32> to vector<1024x1xf32>
    %mul3A = vector.broadcast %broadcast_in_dim3A : vector<1024x1xf32> to vector<1024x128xf32>
    %mul3A_22 = arith.mulf %add3A, %mul3A : vector<1024x128xf32>
    %get3A_23 = arith.constant 0 : index
    %get3A_24 = arith.constant 0 : index
    %get3A_25 = vector.load %arg4[%get3A_23, %get3A_24] : memref<128x128xf32, #tpu.memory_space<vmem>>, vector<128x128xf32>
    %dot_general3A = arith.constant dense<0.000000e+00> : vector<1024x128xf32>
    %dot_general3A_26 = tpu.matmul %mul3A_22, %get3A_25, %dot_general3A {dimension_numbers = #tpu.dot_dimension_numbers<[1], [0], [0], [1], [0, 0, 1, 1], [], []>, precision = #tpu.contract_precision<fp32>, transpose_lhs_hint = false} : vector<1024x128xf32>, vector<128x128xf32>, vector<1024x128xf32> -> vector<1024x128xf32>
    %get3A_27 = arith.constant 0 : index
    %get3A_28 = arith.constant 0 : index
    %get3A_29 = vector.load %arg3[%get3A_27, %get3A_28] : memref<1024x128xf32, #tpu.memory_space<vmem>>, vector<1024x128xf32>
    %get3A_30 = arith.constant 0 : index
    %get3A_31 = arith.constant 0 : index
    %get3A_32 = vector.load %arg5[%get3A_30, %get3A_31] : memref<128x128xf32, #tpu.memory_space<vmem>>, vector<128x128xf32>
    %dot_general3A_33 = arith.constant dense<0.000000e+00> : vector<1024x128xf32>
    %dot_general3A_34 = tpu.matmul %get3A_29, %get3A_32, %dot_general3A_33 {dimension_numbers = #tpu.dot_dimension_numbers<[1], [0], [0], [1], [0, 0, 1, 1], [], []>, precision = #tpu.contract_precision<fp32>, transpose_lhs_hint = false} : vector<1024x128xf32>, vector<128x128xf32>, vector<1024x128xf32> -> vector<1024x128xf32>
    %add3A_35 = arith.addf %dot_general3A_26, %dot_general3A_34 : vector<1024x128xf32>
    %get3A_36 = arith.constant 0 : index
    %get3A_37 = arith.constant 0 : index
    %get3A_38 = vector.load %arg6[%get3A_36, %get3A_37] : memref<1x128xf32, #tpu.memory_space<vmem>>, vector<1x128xf32>
    %add3A_39 = vector.broadcast %get3A_38 : vector<1x128xf32> to vector<1024x128xf32>
    %add3A_40 = arith.addf %add3A_35, %add3A_39 : vector<1024x128xf32>
    %get3A_41 = arith.constant 0 : index
    %get3A_42 = arith.constant 0 : index
    %get3A_43 = vector.load %arg7[%get3A_41, %get3A_42] : memref<128x64xf32, #tpu.memory_space<vmem>>, vector<128x64xf32>
    %dot_general3A_44 = arith.constant dense<0.000000e+00> : vector<1024x64xf32>
    %dot_general3A_45 = tpu.matmul %add3A_40, %get3A_43, %dot_general3A_44 {dimension_numbers = #tpu.dot_dimension_numbers<[1], [0], [0], [1], [0, 0, 1, 1], [], []>, precision = #tpu.contract_precision<fp32>, transpose_lhs_hint = false} : vector<1024x128xf32>, vector<128x64xf32>, vector<1024x64xf32> -> vector<1024x64xf32>
    %get3A_46 = arith.constant 0 : index
    %get3A_47 = arith.constant 0 : index
    %get3A_48 = vector.load %arg8[%get3A_46, %get3A_47] : memref<1x64xf32, #tpu.memory_space<vmem>>, vector<1x64xf32>
    %add3A_49 = vector.broadcast %get3A_48 : vector<1x64xf32> to vector<1024x64xf32>
    %add3A_50 = arith.addf %dot_general3A_45, %add3A_49 : vector<1024x64xf32>
    %reduce_max3A = arith.constant dense<0xFF800000> : vector<1024xf32>
    %reduce_max3A_51 = vector.multi_reduction <maximumf>, %add3A_50, %reduce_max3A [1] : vector<1024x64xf32> to vector<1024xf32>
    %broadcast_in_dim3A_52 = vector.shape_cast %reduce_max3A_51 : vector<1024xf32> to vector<1024x1xf32>
    %sub3A = vector.broadcast %broadcast_in_dim3A_52 : vector<1024x1xf32> to vector<1024x64xf32>
    %sub3A_53 = arith.subf %add3A_50, %sub3A : vector<1024x64xf32>
    %exp3A = math.exp %sub3A_53 : vector<1024x64xf32>
    %reduce_sum3A = arith.constant dense<0.000000e+00> : vector<1024xf32>
    %reduce_sum3A_54 = vector.multi_reduction <add>, %exp3A, %reduce_sum3A [1] : vector<1024x64xf32> to vector<1024xf32>
    %broadcast_in_dim3A_55 = vector.shape_cast %reduce_sum3A_54 : vector<1024xf32> to vector<1024x1xf32>
    %log3A = math.log %broadcast_in_dim3A_55 : vector<1024x1xf32>
    %add3A_56 = arith.addf %log3A, %broadcast_in_dim3A_52 : vector<1024x1xf32>
    %sub3A_57 = vector.broadcast %add3A_56 : vector<1024x1xf32> to vector<1024x64xf32>
    %sub3A_58 = arith.subf %add3A_50, %sub3A_57 : vector<1024x64xf32>
    %swap3A = arith.constant 0 : index
    %swap3A_59 = arith.constant 0 : index
    %swap3A_60 = vector.load %arg9[%swap3A, %swap3A_59] : memref<1024x64xf32, #tpu.memory_space<vmem>>, vector<1024x64xf32>
    tpu.vector_store %arg9[%swap3A, %swap3A_59], %sub3A_58 {strides = array<i32>} : memref<1024x64xf32, #tpu.memory_space<vmem>>, vector<1024x64xf32>,
    return
  }
  func.func @transform_0(%arg0: i32) -> (i32, i32, i32) {
    %c0_i32 = arith.constant 0 : i32
    %c0_i32_0 = arith.constant 0 : i32
    %c0_i32_1 = arith.constant 0 : i32
    return %c0_i32, %arg0, %c0_i32_0 : i32, i32, i32
  }
  func.func @transform_1(%arg0: i32) -> (i32, i32) {
    %c0_i32 = arith.constant 0 : i32
    %c0_i32_0 = arith.constant 0 : i32
    return %c0_i32, %arg0 : i32, i32
  }
  func.func @transform_2(%arg0: i32) -> (i32, i32) {
    %c0_i32 = arith.constant 0 : i32
    %c0_i32_0 = arith.constant 0 : i32
    return %arg0, %c0_i32 : i32, i32
  }
  func.func @transform_3(%arg0: i32) -> (i32, i32) {
    %c0_i32 = arith.constant 0 : i32
    %c0_i32_0 = arith.constant 0 : i32
    %c0_i32_1 = arith.constant 0 : i32
    return %c0_i32, %c0_i32_0 : i32, i32
  }
  func.func @transform_4(%arg0: i32) -> (i32, i32) {
    %c0_i32 = arith.constant 0 : i32
    %c0_i32_0 = arith.constant 0 : i32
    %c0_i32_1 = arith.constant 0 : i32
    return %c0_i32, %c0_i32_0 : i32, i32
  }
  func.func @transform_5(%arg0: i32) -> (i32, i32) {
    %c0_i32 = arith.constant 0 : i32
    %c0_i32_0 = arith.constant 0 : i32
    %c0_i32_1 = arith.constant 0 : i32
    return %c0_i32, %c0_i32_0 : i32, i32
  }
  func.func @transform_6(%arg0: i32) -> (i32, i32) {
    %c0_i32 = arith.constant 0 : i32
    %c0_i32_0 = arith.constant 0 : i32
    %c0_i32_1 = arith.constant 0 : i32
    return %c0_i32, %c0_i32_0 : i32, i32
  }
  func.func @transform_7(%arg0: i32) -> (i32, i32) {
    %c0_i32 = arith.constant 0 : i32
    %c0_i32_0 = arith.constant 0 : i32
    %c0_i32_1 = arith.constant 0 : i32
    return %c0_i32, %c0_i32_0 : i32, i32
  }
  func.func @transform_8(%arg0: i32) -> (i32, i32) {
    %c0_i32 = arith.constant 0 : i32
    %c0_i32_0 = arith.constant 0 : i32
    return %arg0, %c0_i32 : i32, i32
  }
}

</mosaic_0001>

<sc_bundles>
// kernel: kernel.6.cloned.1.call-start
scs
__scs_entry_jumppad:
0x0: {  	(pc) =	sbr.rel $0x88, $3  }
0x1: {  	(tag) =	ssettag $0x0;
	lr =	simm.s32 $0x1  }
0x2: {  	[smem:$0x3F97] =	sst lr;
	_ =	strace $0xD0000000  }
0x3: {  	_ = 	snop  }
0x4: {  	_ = 	snop  }
0x5: {  	_ = 	snop  }
0x6: {  	_ = 	snop  }
0x7: {  	_ = 	snop  }
__scs_overlays_trampoline_lowered:
0x8: {  	[smem:$0x3FA6] =	sst s0  }
0x9: {  	[smem:$0x3FA7] =	sst s1  }
0xa: {  	[smem:$0x3FA8] =	sst s2  }
0xb: {  	[smem:$0x3FA9] =	sst s3  }
0xc: {  	[smem:$0x3FAA] =	sst s4  }
0xd: {  	[smem:$0x3FAB] =	sst s5  }
0xe: {  	[smem:$0x3FAC] =	sst s6  }
0xf: {  	[smem:$0x3FAD] =	sst s7  }
0x10: {  	[smem:$0x3FAE] =	sst s8  }
0x11: {  	[smem:$0x3FAF] =	sst s9;
	s0 =	simm.s32 @!p0 $0x0  }
0x12: {  	s1 =	sld [smem:$0x3F95];
	s0 =	simm.s32 @p0 $0x1  }
0x13: {  	[smem:$0x3FB0] =	sst s0;
	s0 =	simm.s32 @!p1 $0x0  }
0x14: {  	s2 =	sld [smem:$0x3F94];
	s0 =	simm.s32 @p1 $0x1  }
0x15: {  	[smem:$0x3FB1] =	sst s0;
	s0 =	simm.s32 @!p2 $0x0  }
0x16: {  	s3 =	sld [smem:$0x3FDB];
	s0 =	simm.s32 @p2 $0x1  }
0x17: {  	s4 =	simm.s32 $0x1BF5;
	[smem:$0x3FB3] =	sst s0  }
0x18: {  	s0 =	sld [smem:$0x3F96];
	_ =	swait.ge [sflag:s4], $0x0  }
0x19: {  	s7 =	sld [smem:$0x3F97]  }
0x1a: {  	s8 =	sadd.s32 $0xFFFFE003, lr  }
0x1b: {  	s9 =	sadd.s32 $0xFFFFFEF7, lr;
	s5 =	simm.s32 $0xFFFFFFFF;
	p2 =	slt.u32 s8, $0xFFFFF086  }
0x1c: {  	p1 =	slt.u32 s9, $0xF7A;
	s5 =	simm.s32 @!p2 $0x0  }
0x1d: {  	s5 =	simm.s32 @p1 $0x1;
	p0 =	seq.s32 s7, s2  }
0x1e: {  	s7 =	smul.u32 @!p0 $0xF7A, s2;
	p2 =	seq.s32 @!p0 s5, $0x0  }
0x1f: {  	s9 =	smul.u32 $0xF7A, s1;
	s8 =	simm.s32 @!p0 $0x1BF5;
	p2 =	por !p2, p0  }
0x20: {  	[sflag:s8] =	ssyncset.s32 @!p0 $0xFFFFF086;
	s6 =	sadd.s32 @!p0 s3, s7;
	s7 =	simm.s32 @!p0 $0x108  }
0x21: {  	s3 =	sadd.s32 s3, s9;
	s6 =	sadd.s32 @!p0 $0x88, s6;
	s7 =	simm.s32 @p2 $0x1082  }
0x22: {  	[simem:s7], [sflag:s8] =	dma.local @!p0 [hbm:s6], $0xF7A  }
0x23: {  	s9 =	sor.u32 $0xD0000000, s2;
	s6 =	simm.s32 $0x108;
	_ =	swait.ge @!p0 [sflag:s8], $0x0  }
0x24: {  	s3 =	sadd.s32 $0x88, s3;
	s6 =	simm.s32 @!p1 $0x1082;
	[sflag:s4] =	ssyncset.s32 $0xFFFFF086  }
0x25: {  	[simem:s6], [sflag:s4] =	dma.local [hbm:s3], $0xF7A  }
0x26: {  	[smem:$0x3F97] =	sst s1;
	(tag) =	ssettag s2;
	_ =	strace s9  }
0x27: {  	s1 =	sld [smem:$0x3FA7]  }
0x28: {  	s2 =	sld [smem:$0x3FA8]  }
0x29: {  	s4 =	sld [smem:$0x3FAA]  }
0x2a: {  	p0 =	seq.s32 s5, $0x0;
	s5 =	sld [smem:$0x3FAB]  }
0x2b: {  	s6 =	sld [smem:$0x3FAC]  }
0x2c: {  	s7 =	sld [smem:$0x3FAD]  }
0x2d: {  	s3 =	simm.s32 $0x108;
	s8 =	sld [smem:$0x3FAE]  }
0x2e: {  	s3 =	simm.s32 @!p0 $0x1082;
	s9 =	sld [smem:$0x3FAF]  }
0x2f: {  	lr =	sadd.s32 s0, s3;
	s0 =	sld [smem:$0x3FA6]  }
0x30: {  	s3 =	sld [smem:$0x3FA9]  }
0x31: {  	[smem:$0x3FB2] =	sst s10  }
0x32: {  	s10 =	sld [smem:$0x3FB0];
	_ =	sdelay $0x3  }
0x33: {  	p0 =	seq.s32 s10, $0x1;
	s10 =	sld [smem:$0x3FB2];
	_ =	sdelay $0x3  }
0x34: {  	[smem:$0x3FB2] =	sst s10  }
0x35: {  	s10 =	sld [smem:$0x3FB1];
	_ =	sdelay $0x3  }
0x36: {  	p1 =	seq.s32 s10, $0x1;
	s10 =	sld [smem:$0x3FB2];
	_ =	sdelay $0x3  }
0x37: {  	[smem:$0x3FB2] =	sst s10  }
0x38: {  	s10 =	sld [smem:$0x3FB3]  }
0x39: {  	_ = 	snop;
	(pc) =	sbr.ind lr, $3  }
0x3a: {  	_ = 	snop  }
0x3b: {  	_ = 	snop  }
0x3c: {  	p2 =	seq.s32 s10, $0x1;
	s10 =	sld [smem:$0x3FB2]  }
0x3d: {  	_ =	shalt  }
0x3e: {  	_ =	shalt  }
0x3f: {  	_ =	shalt  }
0x40: {  	_ =	shalt  }
0x41: {  	_ =	shalt  }
0x42: {  	_ =	shalt  }
0x43: {  	_ =	shalt  }
0x44: {  	_ =	shalt  }
0x45: {  	_ =	shalt  }
0x46: {  	_ =	shalt  }
0x47: {  	_ =	shalt  }
0x48: {  	_ =	shalt  }
0x49: {  	_ =	shalt  }
0x4a: {  	_ =	shalt  }
0x4b: {  	_ =	shalt  }
0x4c: {  	_ =	shalt  }
0x4d: {  	_ =	shalt  }
0x4e: {  	_ =	shalt  }
0x4f: {  	_ =	shalt  }
0x50: {  	_ =	shalt  }
0x51: {  	_ =	shalt  }
0x52: {  	_ =	shalt  }
0x53: {  	_ =	shalt  }
0x54: {  	_ =	shalt  }
0x55: {  	_ =	shalt  }
0x56: {  	_ =	shalt  }
0x57: {  	_ =	shalt  }
0x58: {  	_ =	shalt  }
0x59: {  	_ =	shalt  }
0x5a: {  	_ =	shalt  }
0x5b: {  	_ =	shalt  }
0x5c: {  	_ =	shalt  }
0x5d: {  	_ =	shalt  }
0x5e: {  	_ =	shalt  }
0x5f: {  	_ =	shalt  }
0x60: {  	_ =	shalt  }
0x61: {  	_ =	shalt  }
0x62: {  	_ =	shalt  }
0x63: {  	_ =	shalt  }
0x64: {  	_ =	shalt  }
0x65: {  	_ =	shalt  }
0x66: {  	_ =	shalt  }
0x67: {  	_ =	shalt  }
0x68: {  	_ =	shalt  }
0x69: {  	_ =	shalt  }
0x6a: {  	_ =	shalt  }
0x6b: {  	_ =	shalt  }
0x6c: {  	_ =	shalt  }
0x6d: {  	_ =	shalt  }
0x6e: {  	_ =	shalt  }
0x6f: {  	_ =	shalt  }
0x70: {  	_ =	shalt  }
0x71: {  	_ =	shalt  }
0x72: {  	_ =	shalt  }
0x73: {  	_ =	shalt  }
0x74: {  	_ =	shalt  }
0x75: {  	_ =	shalt  }
0x76: {  	_ =	shalt  }
0x77: {  	_ =	shalt  }
0x78: {  	_ =	shalt  }
0x79: {  	_ =	shalt  }
0x7a: {  	_ =	shalt  }
0x7b: {  	_ =	shalt  }
0x7c: {  	_ =	shalt  }
0x7d: {  	_ =	shalt  }
0x7e: {  	_ =	shalt  }
0x7f: {  	_ =	shalt  }
0x80: {  	_ =	shalt  }
0x81: {  	_ =	shalt  }
0x82: {  	_ =	shalt  }
0x83: {  	_ =	shalt  }
0x84: {  	_ =	shalt  }
0x85: {  	_ =	shalt  }
0x86: {  	_ =	shalt  }
0x87: {  	_ =	shalt  }
.Lfunc_end0:
.L_simem_size_0:
called_computation_lowered:
.L_overlay_start_0:
0x88: {  	s2 =	sld [smem:$0x3FD9]  }
0x89: {  	s3 =	sld [smem:$0x3FFE];
	_ =	sdelay $0x1  }
0x8a: {  	s1 =	srdreg.scid  }
0x8b: {  	s0 =	sand.u32 $0x1, s1  }
0x8c: {  	s14 =	sshll.u32 s0, $0xA;
	s2 =	sadd.s32 s3, s2  }
0x8d: {  	s2 =	sadd.s32 s2, s14  }
0x8e: {  	[smem:$0x3FBE] =	sst s2  }
0x8f: {  	_ = 	snop  }
0x90: {  	s2 =	sld [smem:$0x3FD0];
	_ =	sdelay $0x2  }
0x91: {  	s4 =	simm.s32 $0xA;
	s5 =	simm.s32 $0x10;
	s15 =	sld [smem:$0x3FC9]  }
0x92: {  	[smem:s5], [sflag:s4] =	dma.local [hbm:s2], $0x1  }
0x93: {  	_ =	swait.eq [sflag:s4], $0x1  }
0x94: {  	[sflag:s4] =	ssyncset.done $0x0  }
0x95: {  	s16 =	sld [smem:$0x10];
	[sflag:s4] =	ssyncadd.s32 $0xFFFFFFFF  }
0x96: {  	s17 =	sld [smem:$0x11];
	(tm) =	ssettm $0x1  }
0x97: {  	s18 =	sld [smem:$0x3FFB];
	_ =	sdelay $0x3  }
0x98: {  	_ =	strace s18  }
0x99: {  	s5 =	sld [smem:$0x3FFC];
	_ =	sdelay $0x3  }
0x9a: {  	_ =	strace s5  }
0x9b: {  	s5 =	sld [smem:$0x3FFD];
	_ =	sdelay $0x3  }
0x9c: {  	_ =	strace s5  }
0x9d: {  	_ =	strace $0x8FFFFFFF  }
0x9e: {  	s19 =	sld [smem:$0x3FDB];
	_ =	sdelay $0x1  }
0x9f: {  	s6 =	simm.s32 $_scs_section_size  }
0xa0: {  	s7 =	simm.s32 $_size__tile_overlayer_lowered;
	s8 =	simm.s32 $_tile_overlayer_lowered  }
0xa1: {  	s22 =	simm.s32 $0x1BFF;
	s21 =	sshll.u32 s8, $0x1;
	s5 =	sadd.s32 s6, s19  }
0xa2: {  	s9 =	simm.s32 $0x0;
	s20 =	sshll.u32 s7, $0x1;
	s7 =	sadd.s32 s21, s5  }
0xa3: {  	[timem:s9], [sflag:s22] =	dma.local [hbm:s7], s20  }
0xa4: {  	_ =	swait.ge [sflag:s22], s20  }
0xa5: {  	s6 =	ssub.s32 $0x0, s20;
	[sflag:s22] =	ssyncset.done $0x0  }
0xa6: {  	[sflag:s22] =	ssyncadd.s32 s6;
	_ =	sdelay $0x1  }
0xa7: {  	s23 =	simm.s32 $0x1B8B  }
0xa8: {  	_ =	swait.ge [sflag:s23], $0x1  }
0xa9: {  	[sflag:s23] =	ssyncset.done $0x0  }
0xaa: {  	s25 =	simm.s32 $0x1B8E;
	s24 =	sld [smem:$0x3FFE];
	[sflag:s23] =	ssyncadd.s32 $0xFFFFFFFF  }
0xab: {  	s26 =	simm.s32 $execute0_lowered;
	[smem:$0x3FD2] =	sst s25  }
0xac: {  	s7 =	sshll.u32 s26, $0x1;
	_ =	strace $0x80000046;
	[dreg:$0x1] =	wrdreg $0xFFFFFFFF  }
0xad: {  	s28 =	simm.s32 $_size_execute0_lowered;
	s5 =	sadd.s32 s5, s7;
	[dreg:$0x0] =	wrdreg $0x0  }
0xae: {  	s7 =	sshll.u32 s28, $0x1;
	[dreg:$0x2] =	wrdreg s5  }
0xaf: {  	[dreg:$0x3] =	wrdreg s7  }
0xb0: {  	[dreg:$0x4] =	wrdreg $0xC0  }
0xb1: {  	_ =	task [dreg:s9], $0x5FFFF  }
0xb2: {  	[dreg:$0x1] =	wrdreg $0xFFFFFFFF  }
0xb3: {  	[dreg:$0x0] =	wrdreg $0x60  }
0xb4: {  	[dreg:$0x2] =	wrdreg s15  }
0xb5: {  	[dreg:$0x3] =	wrdreg s17  }
0xb6: {  	[dreg:$0x4] =	wrdreg s16  }
0xb7: {  	[dreg:$0x5] =	wrdreg s24  }
0xb8: {  	[dreg:$0x6] =	wrdreg $0x88800  }
0xb9: {  	[dreg:$0x7] =	wrdreg $0x1CB800  }
0xba: {  	[dreg:$0x8] =	wrdreg $0x9  }
0xbb: {  	_ =	task.clear_ibuf [dreg:s9], $0x9FFFF;
	_ =	strace $0x90000046  }
0xbc: {  	s29 =	simm.s32 $0x9;
	_ =	strace $0x80000048  }
0xbd: {  	_ =	swait.ge [sflag:s29], $0x1  }
0xbe: {  	[sflag:s29] =	ssyncadd.s32 $0xFFFFFFFF  }
0xbf: {  	_ =	strace $0x90000048  }
0xc0: {  	_ =	sfence  }
0xc1: {  	s30 =	sld [smem:$0x0];
	_ =	sdelay $0x2  }
0xc2: {  	s31 =	sshll.u32 s1, $0xD;
	s1 =	sshrl.u32 s1, $0x2  }
0xc3: {  	s3 =	sand.u32 $0x4000, s31;
	s1 =	sadd.s32 s1, s30  }
0xc4: {  	s0 =	sor.u32 s3, s0;
	s1 =	sshll.u32 s1, $0x11  }
0xc5: {  	s0 =	sor.u32 s1, s0  }
0xc6: {  	s0 =	sadd.s32 $0x8F2B, s0  }
0xc7: {  	[sflag:s0] =	ssyncadd.remote.s32 $0x1  }
0xc8: {  	_ =	sfence.sel $0xFFFF  }
0xc9: {  	[dreg:$0x0] =	wrdreg $0xFFFFFFFF;
	(pc) =	sbr.abs _section_cstart, $3  }
0xca: {  	[dreg:$0x1] =	wrdreg $0xFFFFFFFF  }
0xcb: {  	_ =	task.clear_ibuf [dreg:s9], $0x2FFFF;
	_ =	strace $0x9FFFFFFF  }
0xcc: {  	(tm) =	ssettm $0x7FFFFFFF  }
0xcd: {  	_ =	shalt  }
tec
execute0_lowered:
.L_overlay_start_1:
0x0: {  	(tag) =	ssettag $0x1  }
0x1: {  	s0 =	rddreg [dreg:$0x0]  }
0x2: {  	s2 =	rddreg [dreg:$0x1]  }
0x3: {  	s1 =	rddreg [dreg:$0x2]  }
0x4: {  	s3 =	rddreg [dreg:$0x3];
	s14 =	stileid.u32  }
0x5: {  	s4 =	rddreg [dreg:$0x4];
	s9 =	smul.u32 $0x14000, s14  }
0x6: {  	s6 =	srdreg.scid;
	s23 =	smul.u32 $0x500, s14  }
0x7: {  	s5 =	rddreg [dreg:$0x5];
	s28 =	simm.s32 $0x1;
	s13 =	smul.u32 $0xA00, s14  }
0x8: {  	s30 =	simm.s32 $0x5;
	s31 =	simm.s32 $0x2780;
	s15 =	smul.u32 $0x50000, s14  }
0x9: {  	s7 =	sand.u32 $0x1, s6;
	s6 =	simm.s32 $0x0;
	s20 =	smul.u32 $0x2760, s14  }
0xa: {  	s29 =	simm.s32 $0x5880;
	s8 =	smul.u32 $0x140000, s7;
	[smem:$0x7FF] =	sst s6  }
0xb: {  	s10 =	sshll.u32 s7, $0x4;
	s24 =	sshll.u32 s7, $0x7;
	s25 =	ssub.s32 $0x2, s7  }
0xc: {  	s7 =	smul.u32 $0x27600, s7;
	_ =	strace $0x80000047;
	s10 =	sor.u32 s14, s10  }
0xd: {  	s12 =	sshrl.u32 s25, $0x1;
	s26 =	sshrl.u32 s13, $0x2;
	s18 =	sshrl.u32 s15, $0x2  }
0xe: {  	s13 =	simm.s32 $0x0;
	s8 =	sadd.s32 s9, s8;
	s9 =	ssub.s32 s25, s12  }
0xf: {  	s10 =	smul.u32 $0x2760, s10;
	s8 =	sshrl.u32 s8, $0x3;
	s21 =	smax.u32 s9, $0x1  }
0x10: {  	s9 =	simm.s32 $0x3;
	s11 =	sadd.s32 s8, s3;
	s8 =	sor.u32 s24, s23  }
0x11: {  	s10 =	sshrl.u32 s10, $0x3;
	[dreg:$0xc] =	wrdreg s21;
	s8 =	sshrl.u32 s8, $0x3  }
0x12: {  	s12 =	sadd.s32 s1, s10;
	s2 =	sadd.s32 s2, s10;
	s17 =	sadd.s32 $0x2A00, s11  }
0x13: {  	s10 =	simm.s32 $0x1C880;
	s11 =	simm.s32 $0x4;
	[dreg:$0x8] =	wrdreg s2  }
0x14: {  	s3 =	sadd.s32 s8, s3;
	s8 =	sadd.s32 s26, s5;
	[dreg:$0x7] =	wrdreg s12  }
0x15: {  	s16 =	sadd.s32 $0xC, s12;
	[dreg:$0xa] =	wrdreg s17;
	s12 =	sadd.s32 s18, s4  }
0x16: {  	s2 =	sadd.s32 s20, s7;
	s7 =	simm.s32 $0x2;
	s18 =	simm.s32 $0x10  }
0x17: {  	[dreg:$0x9] =	wrdreg s16;
	s19 =	sadd.s32 $0x52A00, s3;
	s22 =	sadd.s32 $0x2000, s12  }
0x18: {  	s23 =	sadd.s32 $0x4000, s12;
	s24 =	sadd.s32 $0x6000, s12;
	[dreg:$0xb] =	wrdreg s19  }
0x19: {  	s25 =	sadd.s32 $0x8000, s12;
	s20 =	sadd.s32 $0xC000, s12;
	[dreg:$0xd] =	wrdreg s22  }
.Ltmp0:
0x1a: {  	s26 =	sadd.s32 $0x120, s2;
	[dreg:$0xe] =	wrdreg s23;
	(pc) =	sbr.rel .LBB2_1-.Ltmp0, $4  }
0x1b: {  	s21 =	sadd.s32 $0xE000, s12;
	s16 =	sadd.s32 $0xC0, s2;
	[dreg:$0xf] =	wrdreg s24  }
0x1c: {  	s2 =	simm.s32 $0x60;
	[dreg:$0x10] =	wrdreg s25;
	s19 =	sadd.s32 $0xA000, s12  }
0x1d: {  	s22 =	sadd.s32 $0x10000, s12;
	s3 =	sshrl.u32 s26, $0x3;
	s23 =	sadd.s32 $0x12000, s12  }
0x1e: {  	v0 =	vimm.f32 $0.0e+00;
	v1 =	vimm.f32 $1.000000000e+00;
	s26 =	simm.s32 $0x2880;
	s24 =	sadd.s32 s3, s1;
	s3 =	simm.s32 $0x2800  }
.LBB2_6:
0x1f: {  	_ =	swait.ge [sflag:s9], $0x60  }
0x20: {  	[sflag:s9] =	ssyncset.done $0x0  }
0x21: {  	[sflag:s9] =	ssyncadd.s32 $0xFFFFFFA0  }
0x22: {  	_ =	swait.ge [sflag:s28], $0x3000  }
0x23: {  	[sflag:s28] =	ssyncset.done $0x0  }
0x24: {  	[sflag:s28] =	ssyncadd.s32 $0xFFFFD000  }
0x25: {  	[spmem:s4] =	stream.indirect.scatter.add.f32 [tilespmem:s26], [sflag:$0x5], $0x80, s31, s2, $0xb8;
	[tilespmem:$0x1CE00] =	vst v63  }
0x26: {  	_ =	swait.ge [sflag:s30], $0x3000  }
0x27: {  	[sflag:s30] =	ssyncset.done $0x0  }
0x28: {  	[sflag:s30] =	ssyncadd.s32 $0xFFFFD000  }
0x29: {  	[spmem:s5] =	stream.indirect.scatter.add.f32 [tilespmem:s10], [sflag:$0x5], $0x1, s31, s2, $0xb8;
	[tilespmem:$0x1CE00] =	vst v63  }
0x2a: {  	_ =	swait.ge [sflag:s30], $0x60  }
0x2b: {  	[sflag:s30] =	ssyncset.done $0x0  }
0x2c: {  	s14 =	stileid.u32;
	[sflag:s30] =	ssyncadd.s32 $0xFFFFFFA0  }
0x2d: {  	s14 =	sshll.u32 s14, $0x6;
	[bflag:$0x0] =	sbarrier.arrive $0xFFFF  }
0x2e: {  	s15 =	sshrl.u32 s12, $0x3;
	s14 =	sor.u32 $0x1C05, s14;
	s17 =	rddreg [dreg:$0xa]  }
0x2f: {  	[hbm:s17], [sflag:s14] =	dma.local [spmem:s15], $0x2800  }
0x30: {  	_ =	swait.ge [sflag:s30], $0x2800  }
0x31: {  	s25 =	simm.s32 $0x20;
	[sflag:s30] =	ssyncset.done $0x0  }
0x32: {  	s15 =	sshrl.u32 s8, $0x3;
	s17 =	rddreg [dreg:$0xb];
	[sflag:s30] =	ssyncadd.s32 $0xFFFFD800  }
0x33: {  	[hbm:s17@s25], [sflag:s14] =	dma.strided [spmem:s15@s18], $0x50, s28, $0x10   }
0x34: {  	_ =	swait.ge [sflag:s30], $0x50  }
0x35: {  	s13 =	sadd.s32 $0x1, s13;
	s25 =	rddreg [dreg:$0xc]  }
0x36: {  	p0 =	sne.s32 s13, s25  }
.Ltmp1:
0x37: {  	_ = 	snop;
	(pc) =	sbr.rel @!p0 .LBB2_7-.Ltmp1, $3  }
0x38: {  	_ =	sdelay $0x1  }
0x39: {  	[sflag:s30] =	ssyncset.done $0x0  }
0x3a: {  	[sflag:s30] =	ssyncadd.s32 $0xFFFFFFB0  }
.LBB2_1:
0x3b: {  	s14 =	simm.s32 $0x0;
	s15 =	simm.s32 $0x200  }
.LBB2_2:
0x3c: {  	p0 =	sne.s32 s15, $0xBE00;
	[tilespmem:s14+$0x28F0] =	vst v0  }
0x3d: {  	[tilespmem:s14+$0x2880] =	vst v0  }
0x3e: {  	[tilespmem:s14+$0x2890] =	vst v0  }
.Ltmp2:
0x3f: {  	[tilespmem:s14+$0x28A0] =	vst v0;
	(pc) =	sbr.rel @p0 .LBB2_2-.Ltmp2, $4  }
0x40: {  	[tilespmem:s14+$0x28B0] =	vst v0  }
0x41: {  	[tilespmem:s14+$0x28C0] =	vst v0  }
0x42: {  	[tilespmem:s14+$0x28D0] =	vst v0  }
0x43: {  	[tilespmem:s14+$0x28E0] =	vst v0;
	s14 =	sshra.s32 s15, $0x2;
	s15 =	sadd.s32 $0x200, s15  }
0x44: {  	[tilespmem:s14+$0x28F0] =	vst v0  }
0x45: {  	[tilespmem:s14+$0x2880] =	vst v0  }
0x46: {  	[tilespmem:s14+$0x2890] =	vst v0  }
0x47: {  	[tilespmem:s14+$0x28A0] =	vst v0  }
0x48: {  	[tilespmem:s14+$0x28B0] =	vst v0  }
0x49: {  	[tilespmem:s14+$0x28C0] =	vst v0  }
0x4a: {  	[tilespmem:s14+$0x28D0] =	vst v0  }
0x4b: {  	[tilespmem:s14+$0x28E0] =	vst v0  }
0x4c: {  	[spmem:s12] =	stream.linear.scatter [tilespmem:s26], [sflag:$0x1], $0x2000, $0x38;
	[tilespmem:$0x1CE00] =	vst v63  }
0x4d: {  	s25 =	rddreg [dreg:$0xd]  }
0x4e: {  	[spmem:s25] =	stream.linear.scatter [tilespmem:s26], [sflag:$0x1], $0x2000, $0x38;
	[tilespmem:$0x1CE00] =	vst v63  }
0x4f: {  	s15 =	rddreg [dreg:$0xe]  }
0x50: {  	[spmem:s15] =	stream.linear.scatter [tilespmem:s26], [sflag:$0x1], $0x2000, $0x38;
	[tilespmem:$0x1CE00] =	vst v63  }
0x51: {  	s17 =	rddreg [dreg:$0xf]  }
0x52: {  	[spmem:s17] =	stream.linear.scatter [tilespmem:s26], [sflag:$0x1], $0x2000, $0x38;
	[tilespmem:$0x1CE00] =	vst v63  }
0x53: {  	s25 =	rddreg [dreg:$0x10]  }
0x54: {  	[spmem:s25] =	stream.linear.scatter [tilespmem:s26], [sflag:$0x1], $0x2000, $0x38;
	[tilespmem:$0x1CE00] =	vst v63  }
0x55: {  	_ = 	snop  }
0x56: {  	[spmem:s19] =	stream.linear.scatter [tilespmem:s26], [sflag:$0x1], $0x2000, $0x38;
	[tilespmem:$0x1CE00] =	vst v63  }
0x57: {  	_ = 	snop  }
0x58: {  	[spmem:s20] =	stream.linear.scatter [tilespmem:s26], [sflag:$0x1], $0x2000, $0x38;
	[tilespmem:$0x1CE00] =	vst v63  }
0x59: {  	_ = 	snop  }
0x5a: {  	[spmem:s21] =	stream.linear.scatter [tilespmem:s26], [sflag:$0x1], $0x2000, $0x38;
	[tilespmem:$0x1CE00] =	vst v63  }
0x5b: {  	_ = 	snop  }
0x5c: {  	[spmem:s22] =	stream.linear.scatter [tilespmem:s26], [sflag:$0x1], $0x2000, $0x38;
	[tilespmem:$0x1CE00] =	vst v63  }
0x5d: {  	_ = 	snop  }
0x5e: {  	[spmem:s23] =	stream.linear.scatter [tilespmem:s26], [sflag:$0x1], $0x2000, $0x38;
	[tilespmem:$0x1CE00] =	vst v63  }
0x5f: {  	_ =	swait.ge [sflag:s28], $0x2000  }
0x60: {  	[sflag:s28] =	ssyncset.done $0x0  }
0x61: {  	[sflag:s28] =	ssyncadd.s32 $0xFFFFE000  }
0x62: {  	_ =	swait.ge [sflag:s28], $0x2000  }
0x63: {  	[sflag:s28] =	ssyncset.done $0x0  }
0x64: {  	[sflag:s28] =	ssyncadd.s32 $0xFFFFE000  }
0x65: {  	_ =	swait.ge [sflag:s28], $0x2000  }
0x66: {  	[sflag:s28] =	ssyncset.done $0x0  }
0x67: {  	[sflag:s28] =	ssyncadd.s32 $0xFFFFE000  }
0x68: {  	_ =	swait.ge [sflag:s28], $0x2000  }
0x69: {  	[sflag:s28] =	ssyncset.done $0x0  }
0x6a: {  	[sflag:s28] =	ssyncadd.s32 $0xFFFFE000  }
0x6b: {  	_ =	swait.ge [sflag:s28], $0x2000  }
0x6c: {  	[sflag:s28] =	ssyncset.done $0x0  }
0x6d: {  	[sflag:s28] =	ssyncadd.s32 $0xFFFFE000  }
0x6e: {  	_ =	swait.ge [sflag:s28], $0x2000  }
0x6f: {  	[sflag:s28] =	ssyncset.done $0x0  }
0x70: {  	[sflag:s28] =	ssyncadd.s32 $0xFFFFE000  }
0x71: {  	_ =	swait.ge [sflag:s28], $0x2000  }
0x72: {  	[sflag:s28] =	ssyncset.done $0x0  }
0x73: {  	[sflag:s28] =	ssyncadd.s32 $0xFFFFE000  }
0x74: {  	_ =	swait.ge [sflag:s28], $0x2000  }
0x75: {  	[sflag:s28] =	ssyncset.done $0x0  }
0x76: {  	[sflag:s28] =	ssyncadd.s32 $0xFFFFE000  }
0x77: {  	_ =	swait.ge [sflag:s28], $0x2000  }
0x78: {  	[sflag:s28] =	ssyncset.done $0x0  }
0x79: {  	[sflag:s28] =	ssyncadd.s32 $0xFFFFE000  }
0x7a: {  	_ =	swait.ge [sflag:s28], $0x2000  }
0x7b: {  	[sflag:s28] =	ssyncset.done $0x0  }
0x7c: {  	[sflag:s28] =	ssyncadd.s32 $0xFFFFE000  }
0x7d: {  	[tilespmem:$0x1C880] =	vst v1  }
0x7e: {  	[tilespmem:$0x1C890] =	vst v1  }
0x7f: {  	[tilespmem:$0x1C8A0] =	vst v1  }
0x80: {  	[tilespmem:$0x1C8B0] =	vst v1  }
0x81: {  	[tilespmem:$0x1C8C0] =	vst v1  }
0x82: {  	[tilespmem:$0x1C8D0] =	vst v1  }
0x83: {  	[tilespmem:$0x1C900] =	vst v0  }
0x84: {  	[tilespmem:$0x1C910] =	vst v0  }
0x85: {  	[tilespmem:$0x1C920] =	vst v0  }
0x86: {  	[tilespmem:$0x1C930] =	vst v0  }
0x87: {  	[tilespmem:$0x1C940] =	vst v0  }
0x88: {  	[tilespmem:$0x1C950] =	vst v0  }
0x89: {  	[tilespmem:$0x1C960] =	vst v0  }
0x8a: {  	[tilespmem:$0x1C970] =	vst v0  }
0x8b: {  	[tilespmem:$0x1C980] =	vst v0  }
0x8c: {  	[tilespmem:$0x1C990] =	vst v0  }
0x8d: {  	[tilespmem:$0x1C9A0] =	vst v0  }
0x8e: {  	[tilespmem:$0x1C9B0] =	vst v0  }
0x8f: {  	[tilespmem:$0x1C9C0] =	vst v0  }
0x90: {  	[tilespmem:$0x1C9D0] =	vst v0  }
0x91: {  	[tilespmem:$0x1C9E0] =	vst v0  }
0x92: {  	[tilespmem:$0x1C9F0] =	vst v0  }
0x93: {  	[tilespmem:$0x1CA00] =	vst v0  }
0x94: {  	[tilespmem:$0x1CA10] =	vst v0  }
0x95: {  	[tilespmem:$0x1CA20] =	vst v0  }
0x96: {  	[tilespmem:$0x1CA30] =	vst v0  }
0x97: {  	[tilespmem:$0x1CA40] =	vst v0  }
0x98: {  	[tilespmem:$0x1CA50] =	vst v0  }
0x99: {  	[tilespmem:$0x1CA60] =	vst v0  }
0x9a: {  	[tilespmem:$0x1CA70] =	vst v0  }
0x9b: {  	[tilespmem:$0x1CA80] =	vst v0  }
0x9c: {  	[tilespmem:$0x1CA90] =	vst v0  }
0x9d: {  	[tilespmem:$0x1CAA0] =	vst v0  }
0x9e: {  	[tilespmem:$0x1CAB0] =	vst v0  }
0x9f: {  	[tilespmem:$0x1CAC0] =	vst v0  }
0xa0: {  	[tilespmem:$0x1CAD0] =	vst v0  }
0xa1: {  	[tilespmem:$0x1CAE0] =	vst v0  }
0xa2: {  	[tilespmem:$0x1CAF0] =	vst v0  }
0xa3: {  	[tilespmem:$0x1CB00] =	vst v0  }
0xa4: {  	[tilespmem:$0x1CB10] =	vst v0  }
0xa5: {  	[tilespmem:$0x1CB20] =	vst v0  }
0xa6: {  	[tilespmem:$0x1CB30] =	vst v0  }
0xa7: {  	[tilespmem:$0x1CB40] =	vst v0  }
0xa8: {  	[tilespmem:$0x1CB50] =	vst v0  }
0xa9: {  	[tilespmem:$0x1CB60] =	vst v0  }
0xaa: {  	s15 =	simm.s32 $0x1C900;
	[tilespmem:$0x1CB70] =	vst v0  }
0xab: {  	[spmem:s8] =	stream.linear.scatter [tilespmem:s15], [sflag:$0x5], $0x280, $0x38;
	[tilespmem:$0x1CE00] =	vst v63  }
0xac: {  	_ =	swait.ge [sflag:s30], $0x280  }
0xad: {  	[sflag:s30] =	ssyncset.done $0x0  }
0xae: {  	s14 =	simm.s32 $0x0;
	s15 =	rddreg [dreg:$0x8];
	[sflag:s30] =	ssyncadd.s32 $0xFFFFFD80  }
0xaf: {  	[tilespmem:s14], [sflag:$0x5] =	stream.linear.gather [hbm4b:s15+s14], $0x2760, $0x38;
	[tilespmem:$0x1CE00] =	vst v63  }
0xb0: {  	_ =	swait.ge [sflag:s30], $0x2760  }
0xb1: {  	[sflag:s30] =	ssyncset.done $0x0  }
0xb2: {  	[sflag:s30] =	ssyncadd.s32 $0xFFFFD8A0  }
0xb3: {  	[bflag:$0x0] =	sbarrier.arrive $0xFFFF  }
0xb4: {  	s17 =	rddreg [dreg:$0x7]  }
0xb5: {  	[tilespmem:s31], [sflag:$0x3] =	stream.linear.gather [hbm4b:s17+s14], $0x60, $0x38;
	[tilespmem:$0x1CE00] =	vst v63  }
0xb6: {  	_ = 	snop  }
0xb7: {  	[tilespmem:s26], [sflag:$0x1] =	stream.indirect.gather [hbm4b:s0+s2], $0x80, s14, s2, $0xb8;
	[tilespmem:$0x1CE00] =	vst v63  }
0xb8: {  	s25 =	rddreg [dreg:$0x9]  }
0xb9: {  	[tilespmem:s3], [sflag:$0x4] =	stream.linear.gather [hbm4b:s25+s14], $0x60, $0x38;
	[tilespmem:$0x1CE00] =	vst v63  }
0xba: {  	s15 =	simm.s32 $0x120;
	s25 =	smov.u32 s16  }
0xbb: {  	[tilespmem:s29], [sflag:$0x2] =	stream.indirect.gather [hbm4b:s0+s2], $0x80, s2, s2, $0xb8;
	[tilespmem:$0x1CE00] =	vst v63  }
.LBB2_4:
0xbc: {  	_ =	swait.ge [sflag:s9], $0x60  }
0xbd: {  	[sflag:s9] =	ssyncset.done $0x0  }
0xbe: {  	[sflag:s9] =	ssyncadd.s32 $0xFFFFFFA0  }
0xbf: {  	_ =	swait.ge [sflag:s28], $0x3000  }
0xc0: {  	[sflag:s28] =	ssyncset.done $0x0  }
0xc1: {  	[sflag:s28] =	ssyncadd.s32 $0xFFFFD000  }
0xc2: {  	[spmem:s4] =	stream.indirect.scatter.add.f32 [tilespmem:s26], [sflag:$0x5], $0x80, s31, s2, $0xb8;
	[tilespmem:$0x1CE00] =	vst v63  }
0xc3: {  	_ =	swait.ge [sflag:s30], $0x3000  }
0xc4: {  	[sflag:s30] =	ssyncset.done $0x0  }
0xc5: {  	[sflag:s30] =	ssyncadd.s32 $0xFFFFD000  }
0xc6: {  	[spmem:s5] =	stream.indirect.scatter.add.f32 [tilespmem:s10], [sflag:$0x5], $0x1, s31, s2, $0xb8;
	[tilespmem:$0x1CE00] =	vst v63  }
0xc7: {  	_ =	swait.ge [sflag:s30], $0x60  }
0xc8: {  	s17 =	sshrl.u32 s25, $0x3;
	[sflag:s30] =	ssyncset.done $0x0  }
0xc9: {  	s17 =	sadd.s32 s1, s17;
	[sflag:s30] =	ssyncadd.s32 $0xFFFFFFA0  }
0xca: {  	[tilespmem:s31], [sflag:$0x3] =	stream.linear.gather [hbm4b:s17+s6], $0x60, $0x38;
	[tilespmem:$0x1CE00] =	vst v63  }
0xcb: {  	s17 =	sadd.s32 $0xFFFFFFA0, s15  }
0xcc: {  	[tilespmem:s26], [sflag:$0x1] =	stream.indirect.gather [hbm4b:s0+s2], $0x80, s17, s2, $0xb8;
	[tilespmem:$0x1CE00] =	vst v63  }
0xcd: {  	_ =	swait.ge [sflag:s11], $0x60  }
0xce: {  	[sflag:s11] =	ssyncset.done $0x0  }
0xcf: {  	[sflag:s11] =	ssyncadd.s32 $0xFFFFFFA0  }
0xd0: {  	_ =	swait.ge [sflag:s7], $0x3000  }
0xd1: {  	[sflag:s7] =	ssyncset.done $0x0  }
0xd2: {  	[sflag:s7] =	ssyncadd.s32 $0xFFFFD000  }
0xd3: {  	[spmem:s4] =	stream.indirect.scatter.add.f32 [tilespmem:s29], [sflag:$0x5], $0x80, s3, s2, $0xb8;
	[tilespmem:$0x1CE00] =	vst v63  }
0xd4: {  	_ =	swait.ge [sflag:s30], $0x3000  }
0xd5: {  	p0 =	seq.s32 s14, $0x4C8;
	[sflag:s30] =	ssyncset.done $0x0  }
.Ltmp3:
0xd6: {  	[sflag:s30] =	ssyncadd.s32 $0xFFFFD000;
	(pc) =	sbr.rel @p0 .LBB2_6-.Ltmp3, $4  }
0xd7: {  	[spmem:s5] =	stream.indirect.scatter.add.f32 [tilespmem:s10], [sflag:$0x5], $0x1, s3, s2, $0xb8;
	[tilespmem:$0x1CE00] =	vst v63  }
0xd8: {  	_ =	swait.ge [sflag:s30], $0x60  }
0xd9: {  	[sflag:s30] =	ssyncset.done $0x0  }
0xda: {  	[sflag:s30] =	ssyncadd.s32 $0xFFFFFFA0  }
.Ltmp4:
0xdb: {  	s17 =	sadd.s32 s14, s24;
	(pc) =	sbr.rel .LBB2_4-.Ltmp4, $4  }
0xdc: {  	[tilespmem:s3], [sflag:$0x4] =	stream.linear.gather [hbm4b:s17+s6], $0x60, $0x38;
	[tilespmem:$0x1CE00] =	vst v63  }
0xdd: {  	_ = 	snop  }
0xde: {  	[tilespmem:s29], [sflag:$0x2] =	stream.indirect.gather [hbm4b:s0+s2], $0x80, s15, s2, $0xb8;
	[tilespmem:$0x1CE00] =	vst v63  }
0xdf: {  	s14 =	sadd.s32 $0x18, s14;
	s25 =	sadd.s32 $0xC0, s25;
	s15 =	sadd.s32 $0xC0, s15  }
.LBB2_7:
0xe0: {  	_ =	sfence.sel $0x180000  }
0xe1: {  	[bflag:$0x0] =	sbarrier.arrive $0xFFFF  }
0xe2: {  	_ =	strace $0x90000047  }
0xe3: {  	s0 =	stileid.u32;
	[bflag:$0x2] =	sbarrier.arrive $0xFFFF  }
0xe4: {  	p0 =	sne.s32 s0, $0x0;
	s0 =	rddreg [dreg:$0x6]  }
0xe5: {  	s0 =	sadd.s32 @!p0 $0x100000, s0  }
0xe6: {  	[sflag:s0] =	ssyncadd.tile.s32 @!p0 $0x1;
	_ =	shalt  }
.Lfunc_end2:
_tile_overlayer_lowered:
.L_overlay_start_2:
0xe7: {  	(tag) =	ssettag $0x2  }
0xe8: {  	s0 =	rddreg [dreg:$0x0];
	s2 =	stileid.u32  }
0xe9: {  	s1 =	rddreg [dreg:$0x1];
	p0 =	sne.s32 s2, $0x0  }
0xea: {  	s3 =	rddreg [dreg:$0x2];
	[bflag:$0x3] =	sbarrier.arrive $0xFFFF;
	s2 =	simm.s32 @!p0 $0x1C05  }
0xeb: {  	[timem:s3], [sflag:s2] =	dma.local @!p0 [hbm:s0], s1  }
0xec: {  	s0 =	simm.s32 @!p0 $0x5  }
0xed: {  	_ =	swait.ge @!p0 [sflag:s0], s1  }
0xee: {  	s1 =	ssub.s32 @!p0 $0x0, s1;
	[sflag:s0] =	ssyncset.done @!p0 $0x0  }
0xef: {  	[sflag:s0] =	ssyncadd.s32 @!p0 s1  }
0xf0: {  	[bflag:$0x3] =	sbarrier.arrive $0xFFFF  }
0xf1: {  	_ =	shalt  }

// kernel: kernel.9.cloned.1.call-start
scs
__scs_entry_jumppad:
0x0: {  	(pc) =	sbr.rel $0x88, $3  }
0x1: {  	(tag) =	ssettag $0x0;
	lr =	simm.s32 $0x1  }
0x2: {  	[smem:$0x3F97] =	sst lr;
	_ =	strace $0xD0000000  }
0x3: {  	_ = 	snop  }
0x4: {  	_ = 	snop  }
0x5: {  	_ = 	snop  }
0x6: {  	_ = 	snop  }
0x7: {  	_ = 	snop  }
__scs_overlays_trampoline_lowered:
0x8: {  	[smem:$0x3FA6] =	sst s0  }
0x9: {  	[smem:$0x3FA7] =	sst s1  }
0xa: {  	[smem:$0x3FA8] =	sst s2  }
0xb: {  	[smem:$0x3FA9] =	sst s3  }
0xc: {  	[smem:$0x3FAA] =	sst s4  }
0xd: {  	[smem:$0x3FAB] =	sst s5  }
0xe: {  	[smem:$0x3FAC] =	sst s6  }
0xf: {  	[smem:$0x3FAD] =	sst s7  }
0x10: {  	[smem:$0x3FAE] =	sst s8  }
0x11: {  	[smem:$0x3FAF] =	sst s9;
	s0 =	simm.s32 @!p0 $0x0  }
0x12: {  	s1 =	sld [smem:$0x3F95];
	s0 =	simm.s32 @p0 $0x1  }
0x13: {  	[smem:$0x3FB0] =	sst s0;
	s0 =	simm.s32 @!p1 $0x0  }
0x14: {  	s2 =	sld [smem:$0x3F94];
	s0 =	simm.s32 @p1 $0x1  }
0x15: {  	[smem:$0x3FB1] =	sst s0;
	s0 =	simm.s32 @!p2 $0x0  }
0x16: {  	s3 =	sld [smem:$0x3FDB];
	s0 =	simm.s32 @p2 $0x1  }
0x17: {  	s4 =	simm.s32 $0x1BF5;
	[smem:$0x3FB3] =	sst s0  }
0x18: {  	s0 =	sld [smem:$0x3F96];
	_ =	swait.ge [sflag:s4], $0x0  }
0x19: {  	s7 =	sld [smem:$0x3F97]  }
0x1a: {  	s8 =	sadd.s32 $0xFFFFE003, lr  }
0x1b: {  	s9 =	sadd.s32 $0xFFFFFEF7, lr;
	s5 =	simm.s32 $0xFFFFFFFF;
	p2 =	slt.u32 s8, $0xFFFFF086  }
0x1c: {  	p1 =	slt.u32 s9, $0xF7A;
	s5 =	simm.s32 @!p2 $0x0  }
0x1d: {  	s5 =	simm.s32 @p1 $0x1;
	p0 =	seq.s32 s7, s2  }
0x1e: {  	s7 =	smul.u32 @!p0 $0xF7A, s2;
	p2 =	seq.s32 @!p0 s5, $0x0  }
0x1f: {  	s9 =	smul.u32 $0xF7A, s1;
	s8 =	simm.s32 @!p0 $0x1BF5;
	p2 =	por !p2, p0  }
0x20: {  	[sflag:s8] =	ssyncset.s32 @!p0 $0xFFFFF086;
	s6 =	sadd.s32 @!p0 s3, s7;
	s7 =	simm.s32 @!p0 $0x108  }
0x21: {  	s3 =	sadd.s32 s3, s9;
	s6 =	sadd.s32 @!p0 $0x88, s6;
	s7 =	simm.s32 @p2 $0x1082  }
0x22: {  	[simem:s7], [sflag:s8] =	dma.local @!p0 [hbm:s6], $0xF7A  }
0x23: {  	s9 =	sor.u32 $0xD0000000, s2;
	s6 =	simm.s32 $0x108;
	_ =	swait.ge @!p0 [sflag:s8], $0x0  }
0x24: {  	s3 =	sadd.s32 $0x88, s3;
	s6 =	simm.s32 @!p1 $0x1082;
	[sflag:s4] =	ssyncset.s32 $0xFFFFF086  }
0x25: {  	[simem:s6], [sflag:s4] =	dma.local [hbm:s3], $0xF7A  }
0x26: {  	[smem:$0x3F97] =	sst s1;
	(tag) =	ssettag s2;
	_ =	strace s9  }
0x27: {  	s1 =	sld [smem:$0x3FA7]  }
0x28: {  	s2 =	sld [smem:$0x3FA8]  }
0x29: {  	s4 =	sld [smem:$0x3FAA]  }
0x2a: {  	p0 =	seq.s32 s5, $0x0;
	s5 =	sld [smem:$0x3FAB]  }
0x2b: {  	s6 =	sld [smem:$0x3FAC]  }
0x2c: {  	s7 =	sld [smem:$0x3FAD]  }
0x2d: {  	s3 =	simm.s32 $0x108;
	s8 =	sld [smem:$0x3FAE]  }
0x2e: {  	s3 =	simm.s32 @!p0 $0x1082;
	s9 =	sld [smem:$0x3FAF]  }
0x2f: {  	lr =	sadd.s32 s0, s3;
	s0 =	sld [smem:$0x3FA6]  }
0x30: {  	s3 =	sld [smem:$0x3FA9]  }
0x31: {  	[smem:$0x3FB2] =	sst s10  }
0x32: {  	s10 =	sld [smem:$0x3FB0];
	_ =	sdelay $0x3  }
0x33: {  	p0 =	seq.s32 s10, $0x1;
	s10 =	sld [smem:$0x3FB2];
	_ =	sdelay $0x3  }
0x34: {  	[smem:$0x3FB2] =	sst s10  }
0x35: {  	s10 =	sld [smem:$0x3FB1];
	_ =	sdelay $0x3  }
0x36: {  	p1 =	seq.s32 s10, $0x1;
	s10 =	sld [smem:$0x3FB2];
	_ =	sdelay $0x3  }
0x37: {  	[smem:$0x3FB2] =	sst s10  }
0x38: {  	s10 =	sld [smem:$0x3FB3]  }
0x39: {  	_ = 	snop;
	(pc) =	sbr.ind lr, $3  }
0x3a: {  	_ = 	snop  }
0x3b: {  	_ = 	snop  }
0x3c: {  	p2 =	seq.s32 s10, $0x1;
	s10 =	sld [smem:$0x3FB2]  }
0x3d: {  	_ =	shalt  }
0x3e: {  	_ =	shalt  }
0x3f: {  	_ =	shalt  }
0x40: {  	_ =	shalt  }
0x41: {  	_ =	shalt  }
0x42: {  	_ =	shalt  }
0x43: {  	_ =	shalt  }
0x44: {  	_ =	shalt  }
0x45: {  	_ =	shalt  }
0x46: {  	_ =	shalt  }
0x47: {  	_ =	shalt  }
0x48: {  	_ =	shalt  }
0x49: {  	_ =	shalt  }
0x4a: {  	_ =	shalt  }
0x4b: {  	_ =	shalt  }
0x4c: {  	_ =	shalt  }
0x4d: {  	_ =	shalt  }
0x4e: {  	_ =	shalt  }
0x4f: {  	_ =	shalt  }
0x50: {  	_ =	shalt  }
0x51: {  	_ =	shalt  }
0x52: {  	_ =	shalt  }
0x53: {  	_ =	shalt  }
0x54: {  	_ =	shalt  }
0x55: {  	_ =	shalt  }
0x56: {  	_ =	shalt  }
0x57: {  	_ =	shalt  }
0x58: {  	_ =	shalt  }
0x59: {  	_ =	shalt  }
0x5a: {  	_ =	shalt  }
0x5b: {  	_ =	shalt  }
0x5c: {  	_ =	shalt  }
0x5d: {  	_ =	shalt  }
0x5e: {  	_ =	shalt  }
0x5f: {  	_ =	shalt  }
0x60: {  	_ =	shalt  }
0x61: {  	_ =	shalt  }
0x62: {  	_ =	shalt  }
0x63: {  	_ =	shalt  }
0x64: {  	_ =	shalt  }
0x65: {  	_ =	shalt  }
0x66: {  	_ =	shalt  }
0x67: {  	_ =	shalt  }
0x68: {  	_ =	shalt  }
0x69: {  	_ =	shalt  }
0x6a: {  	_ =	shalt  }
0x6b: {  	_ =	shalt  }
0x6c: {  	_ =	shalt  }
0x6d: {  	_ =	shalt  }
0x6e: {  	_ =	shalt  }
0x6f: {  	_ =	shalt  }
0x70: {  	_ =	shalt  }
0x71: {  	_ =	shalt  }
0x72: {  	_ =	shalt  }
0x73: {  	_ =	shalt  }
0x74: {  	_ =	shalt  }
0x75: {  	_ =	shalt  }
0x76: {  	_ =	shalt  }
0x77: {  	_ =	shalt  }
0x78: {  	_ =	shalt  }
0x79: {  	_ =	shalt  }
0x7a: {  	_ =	shalt  }
0x7b: {  	_ =	shalt  }
0x7c: {  	_ =	shalt  }
0x7d: {  	_ =	shalt  }
0x7e: {  	_ =	shalt  }
0x7f: {  	_ =	shalt  }
0x80: {  	_ =	shalt  }
0x81: {  	_ =	shalt  }
0x82: {  	_ =	shalt  }
0x83: {  	_ =	shalt  }
0x84: {  	_ =	shalt  }
0x85: {  	_ =	shalt  }
0x86: {  	_ =	shalt  }
0x87: {  	_ =	shalt  }
.Lfunc_end0:
.L_simem_size_0:
called_computation.1_lowered:
.L_overlay_start_0:
0x88: {  	s2 =	sld [smem:$0x3FD9]  }
0x89: {  	s3 =	sld [smem:$0x3FFE];
	_ =	sdelay $0x1  }
0x8a: {  	s1 =	srdreg.scid  }
0x8b: {  	s0 =	sand.u32 $0x1, s1  }
0x8c: {  	s14 =	sshll.u32 s0, $0xA;
	s2 =	sadd.s32 s3, s2  }
0x8d: {  	s2 =	sadd.s32 s2, s14  }
0x8e: {  	[smem:$0x3FBE] =	sst s2  }
0x8f: {  	_ = 	snop  }
0x90: {  	s2 =	sld [smem:$0x3FD0];
	_ =	sdelay $0x2  }
0x91: {  	s15 =	simm.s32 $0xA;
	s4 =	simm.s32 $0x10  }
0x92: {  	[smem:s4], [sflag:s15] =	dma.local [hbm:s2], $0x1  }
0x93: {  	_ =	swait.eq [sflag:s15], $0x1  }
0x94: {  	[sflag:s15] =	ssyncset.done $0x0  }
0x95: {  	s16 =	sld [smem:$0x10];
	[sflag:s15] =	ssyncadd.s32 $0xFFFFFFFF  }
0x96: {  	s17 =	sld [smem:$0x11];
	(tm) =	ssettm $0x1  }
0x97: {  	s18 =	sld [smem:$0x3FFB];
	_ =	sdelay $0x3  }
0x98: {  	_ =	strace s18  }
0x99: {  	s4 =	sld [smem:$0x3FFC];
	_ =	sdelay $0x3  }
0x9a: {  	_ =	strace s4  }
0x9b: {  	s4 =	sld [smem:$0x3FFD];
	_ =	sdelay $0x3  }
0x9c: {  	_ =	strace s4  }
0x9d: {  	_ =	strace $0x8FFFFFFF  }
0x9e: {  	s19 =	sld [smem:$0x3FDB];
	_ =	sdelay $0x1  }
0x9f: {  	s5 =	simm.s32 $_scs_section_size  }
0xa0: {  	s6 =	simm.s32 $_size__tile_overlayer_lowered;
	s7 =	simm.s32 $_tile_overlayer_lowered  }
0xa1: {  	s22 =	simm.s32 $0x1BFF;
	s21 =	sshll.u32 s7, $0x1;
	s4 =	sadd.s32 s5, s19  }
0xa2: {  	s8 =	simm.s32 $0x0;
	s20 =	sshll.u32 s6, $0x1;
	s6 =	sadd.s32 s21, s4  }
0xa3: {  	[timem:s8], [sflag:s22] =	dma.local [hbm:s6], s20  }
0xa4: {  	_ =	swait.ge [sflag:s22], s20  }
0xa5: {  	s5 =	ssub.s32 $0x0, s20;
	[sflag:s22] =	ssyncset.done $0x0  }
0xa6: {  	[sflag:s22] =	ssyncadd.s32 s5;
	_ =	sdelay $0x1  }
0xa7: {  	s23 =	simm.s32 $0x1B8B  }
0xa8: {  	_ =	swait.ge [sflag:s23], $0x1  }
0xa9: {  	[sflag:s23] =	ssyncset.done $0x0  }
0xaa: {  	s25 =	simm.s32 $0x1B8E;
	s24 =	sld [smem:$0x3FFE];
	[sflag:s23] =	ssyncadd.s32 $0xFFFFFFFF  }
0xab: {  	s26 =	simm.s32 $execute0_lowered;
	[smem:$0x3FD2] =	sst s25  }
0xac: {  	s6 =	sshll.u32 s26, $0x1;
	_ =	strace $0x80000049;
	[dreg:$0x1] =	wrdreg $0xFFFFFFFF  }
0xad: {  	s28 =	simm.s32 $_size_execute0_lowered;
	s4 =	sadd.s32 s4, s6;
	[dreg:$0x0] =	wrdreg $0x0  }
0xae: {  	s6 =	sshll.u32 s28, $0x1;
	[dreg:$0x2] =	wrdreg s4  }
0xaf: {  	[dreg:$0x3] =	wrdreg s6  }
0xb0: {  	[dreg:$0x4] =	wrdreg $0xC0  }
0xb1: {  	_ =	task [dreg:s8], $0x5FFFF  }
0xb2: {  	[dreg:$0x1] =	wrdreg $0xFFFFFFFF  }
0xb3: {  	[dreg:$0x0] =	wrdreg $0x60  }
0xb4: {  	[dreg:$0x2] =	wrdreg s24  }
0xb5: {  	[dreg:$0x3] =	wrdreg s17  }
0xb6: {  	[dreg:$0x4] =	wrdreg s16  }
0xb7: {  	[dreg:$0x5] =	wrdreg $0x88800  }
0xb8: {  	[dreg:$0x6] =	wrdreg $0x9  }
0xb9: {  	_ =	task.clear_ibuf [dreg:s8], $0x7FFFF;
	_ =	strace $0x90000049  }
0xba: {  	s29 =	simm.s32 $0x9;
	_ =	strace $0x8000004B  }
0xbb: {  	_ =	swait.ge [sflag:s29], $0x1  }
0xbc: {  	[sflag:s29] =	ssyncadd.s32 $0xFFFFFFFF  }
0xbd: {  	_ =	strace $0x9000004B  }
0xbe: {  	_ =	sfence  }
0xbf: {  	s30 =	sld [smem:$0x0];
	_ =	sdelay $0x2  }
0xc0: {  	s31 =	sshll.u32 s1, $0xD;
	s1 =	sshrl.u32 s1, $0x2  }
0xc1: {  	s3 =	sand.u32 $0x4000, s31;
	s1 =	sadd.s32 s1, s30  }
0xc2: {  	s0 =	sor.u32 s3, s0;
	s1 =	sshll.u32 s1, $0x11  }
0xc3: {  	s0 =	sor.u32 s1, s0  }
0xc4: {  	s0 =	sadd.s32 $0x8F2B, s0  }
0xc5: {  	[sflag:s0] =	ssyncadd.remote.s32 $0x1  }
0xc6: {  	_ =	sfence.sel $0xFFFF  }
0xc7: {  	[dreg:$0x0] =	wrdreg $0xFFFFFFFF;
	(pc) =	sbr.abs _section_cstart, $3  }
0xc8: {  	[dreg:$0x1] =	wrdreg $0xFFFFFFFF  }
0xc9: {  	_ =	task.clear_ibuf [dreg:s8], $0x2FFFF;
	_ =	strace $0x9FFFFFFF  }
0xca: {  	(tm) =	ssettm $0x7FFFFFFF  }
0xcb: {  	_ =	shalt  }
tec
execute0_lowered:
.L_overlay_start_1:
0x0: {  	(tag) =	ssettag $0x1  }
0x1: {  	s0 =	rddreg [dreg:$0x0]  }
0x2: {  	s2 =	rddreg [dreg:$0x1]  }
0x3: {  	s1 =	rddreg [dreg:$0x2]  }
0x4: {  	s3 =	rddreg [dreg:$0x3];
	s12 =	stileid.u32  }
0x5: {  	s4 =	srdreg.scid;
	s7 =	smul.u32 $0x14000, s12  }
0x6: {  	s28 =	simm.s32 $0x60;
	s29 =	simm.s32 $0x2800;
	s11 =	smul.u32 $0x50000, s12  }
0x7: {  	s30 =	simm.s32 $0x5880;
	s6 =	sand.u32 $0x1, s4;
	s24 =	smul.u32 $0x2760, s12  }
0x8: {  	s31 =	simm.s32 $0x3;
	s4 =	simm.s32 $0x0;
	s5 =	smul.u32 $0x140000, s6  }
0x9: {  	s8 =	sshll.u32 s6, $0x4;
	[smem:$0x7FF] =	sst s4;
	s9 =	ssub.s32 $0x2, s6  }
0xa: {  	s6 =	smul.u32 $0x27600, s6;
	s8 =	sor.u32 s12, s8;
	_ =	strace $0x8000004A  }
0xb: {  	s10 =	sshrl.u32 s9, $0x1;
	s23 =	sshrl.u32 s11, $0x2;
	s7 =	sadd.s32 s7, s5  }
0xc: {  	s8 =	smul.u32 $0x2760, s8;
	s5 =	sadd.s32 $0x2A00, s0;
	s22 =	ssub.s32 s9, s10  }
0xd: {  	s9 =	sadd.s32 s23, s3;
	s26 =	sadd.s32 s24, s6;
	s23 =	simm.s32 $0x2880  }
0xe: {  	s24 =	simm.s32 $0x1;
	s6 =	simm.s32 $0x0;
	s7 =	sshrl.u32 s7, $0x3  }
0xf: {  	s25 =	smax.u32 s22, $0x1;
	s12 =	sadd.s32 $0x2000, s9;
	s13 =	sadd.s32 $0x4000, s9  }
0x10: {  	s14 =	sadd.s32 $0x6000, s9;
	s15 =	sadd.s32 $0x8000, s9;
	s16 =	sadd.s32 $0xA000, s9  }
0x11: {  	s17 =	sadd.s32 $0xC000, s9;
	s18 =	sadd.s32 $0xE000, s9;
	s19 =	sadd.s32 $0x10000, s9  }
0x12: {  	s20 =	sadd.s32 $0x12000, s9;
	s8 =	sshrl.u32 s8, $0x3;
	s0 =	sadd.s32 s7, s0  }
0x13: {  	[dreg:$0x9] =	wrdreg s25;
	s7 =	sadd.s32 $0xC0, s26;
	s2 =	sadd.s32 s2, s8  }
.Ltmp0:
0x14: {  	s8 =	sadd.s32 s1, s8;
	[dreg:$0x5] =	wrdreg s2;
	(pc) =	sbr.rel .LBB2_1-.Ltmp0, $4  }
0x15: {  	s25 =	simm.s32 $0x5;
	s0 =	sadd.s32 $0x53400, s0;
	[dreg:$0x6] =	wrdreg s8  }
0x16: {  	s8 =	sadd.s32 $0xC, s8;
	[dreg:$0x8] =	wrdreg s0;
	s2 =	sadd.s32 $0x120, s26  }
0x17: {  	s26 =	simm.s32 $0x2780;
	s0 =	simm.s32 $0x4;
	s2 =	sshrl.u32 s2, $0x3  }
0x18: {  	v0 =	vimm.f32 $0.0e+00;
	[dreg:$0x7] =	wrdreg s8;
	s21 =	sadd.s32 s2, s1;
	s2 =	simm.s32 $0x2  }
.LBB2_6:
0x19: {  	_ =	swait.ge [sflag:s31], $0x60  }
0x1a: {  	[sflag:s31] =	ssyncset.done $0x0  }
0x1b: {  	[sflag:s31] =	ssyncadd.s32 $0xFFFFFFA0  }
0x1c: {  	_ =	swait.ge [sflag:s24], $0x3000  }
0x1d: {  	[sflag:s24] =	ssyncset.done $0x0  }
0x1e: {  	[sflag:s24] =	ssyncadd.s32 $0xFFFFD000  }
0x1f: {  	[spmem:s3] =	stream.indirect.scatter.add.f32 [tilespmem:s23], [sflag:$0x5], $0x80, s26, s28, $0xb8;
	[tilespmem:$0x1C880] =	vst v63  }
0x20: {  	_ =	swait.ge [sflag:s25], $0x3000  }
0x21: {  	[sflag:s25] =	ssyncset.done $0x0  }
0x22: {  	s8 =	stileid.u32;
	[sflag:s25] =	ssyncadd.s32 $0xFFFFD000  }
0x23: {  	s8 =	sshll.u32 s8, $0x6;
	[bflag:$0x0] =	sbarrier.arrive $0xFFFF  }
0x24: {  	s10 =	sshrl.u32 s9, $0x3;
	s8 =	sor.u32 $0x1C05, s8;
	s11 =	rddreg [dreg:$0x8]  }
0x25: {  	[hbm:s11], [sflag:s8] =	dma.local [spmem:s10], $0x2800  }
0x26: {  	_ =	swait.ge [sflag:s25], $0x2800  }
0x27: {  	s6 =	sadd.s32 $0x1, s6;
	s22 =	rddreg [dreg:$0x9]  }
0x28: {  	p0 =	sne.s32 s6, s22  }
.Ltmp1:
0x29: {  	_ = 	snop;
	(pc) =	sbr.rel @!p0 .LBB2_7-.Ltmp1, $3  }
0x2a: {  	_ =	sdelay $0x1  }
0x2b: {  	[sflag:s25] =	ssyncset.done $0x0  }
0x2c: {  	[sflag:s25] =	ssyncadd.s32 $0xFFFFD800  }
.LBB2_1:
0x2d: {  	s8 =	simm.s32 $0x0;
	s10 =	simm.s32 $0x200  }
.LBB2_2:
0x2e: {  	p0 =	sne.s32 s10, $0xBE00;
	[tilespmem:s8+$0x28F0] =	vst v0  }
0x2f: {  	[tilespmem:s8+$0x2880] =	vst v0  }
0x30: {  	[tilespmem:s8+$0x2890] =	vst v0  }
.Ltmp2:
0x31: {  	[tilespmem:s8+$0x28A0] =	vst v0;
	(pc) =	sbr.rel @p0 .LBB2_2-.Ltmp2, $4  }
0x32: {  	[tilespmem:s8+$0x28B0] =	vst v0  }
0x33: {  	[tilespmem:s8+$0x28C0] =	vst v0  }
0x34: {  	[tilespmem:s8+$0x28D0] =	vst v0  }
0x35: {  	[tilespmem:s8+$0x28E0] =	vst v0;
	s8 =	sshra.s32 s10, $0x2;
	s10 =	sadd.s32 $0x200, s10  }
0x36: {  	[tilespmem:s8+$0x28F0] =	vst v0  }
0x37: {  	[tilespmem:s8+$0x2880] =	vst v0  }
0x38: {  	[tilespmem:s8+$0x2890] =	vst v0  }
0x39: {  	[tilespmem:s8+$0x28A0] =	vst v0  }
0x3a: {  	[tilespmem:s8+$0x28B0] =	vst v0  }
0x3b: {  	[tilespmem:s8+$0x28C0] =	vst v0  }
0x3c: {  	[tilespmem:s8+$0x28D0] =	vst v0  }
0x3d: {  	[tilespmem:s8+$0x28E0] =	vst v0  }
0x3e: {  	[spmem:s9] =	stream.linear.scatter [tilespmem:s23], [sflag:$0x1], $0x2000, $0x38;
	[tilespmem:$0x1C880] =	vst v63  }
0x3f: {  	_ = 	snop  }
0x40: {  	[spmem:s12] =	stream.linear.scatter [tilespmem:s23], [sflag:$0x1], $0x2000, $0x38;
	[tilespmem:$0x1C880] =	vst v63  }
0x41: {  	_ = 	snop  }
0x42: {  	[spmem:s13] =	stream.linear.scatter [tilespmem:s23], [sflag:$0x1], $0x2000, $0x38;
	[tilespmem:$0x1C880] =	vst v63  }
0x43: {  	_ = 	snop  }
0x44: {  	[spmem:s14] =	stream.linear.scatter [tilespmem:s23], [sflag:$0x1], $0x2000, $0x38;
	[tilespmem:$0x1C880] =	vst v63  }
0x45: {  	_ = 	snop  }
0x46: {  	[spmem:s15] =	stream.linear.scatter [tilespmem:s23], [sflag:$0x1], $0x2000, $0x38;
	[tilespmem:$0x1C880] =	vst v63  }
0x47: {  	_ = 	snop  }
0x48: {  	[spmem:s16] =	stream.linear.scatter [tilespmem:s23], [sflag:$0x1], $0x2000, $0x38;
	[tilespmem:$0x1C880] =	vst v63  }
0x49: {  	_ = 	snop  }
0x4a: {  	[spmem:s17] =	stream.linear.scatter [tilespmem:s23], [sflag:$0x1], $0x2000, $0x38;
	[tilespmem:$0x1C880] =	vst v63  }
0x4b: {  	_ = 	snop  }
0x4c: {  	[spmem:s18] =	stream.linear.scatter [tilespmem:s23], [sflag:$0x1], $0x2000, $0x38;
	[tilespmem:$0x1C880] =	vst v63  }
0x4d: {  	_ = 	snop  }
0x4e: {  	[spmem:s19] =	stream.linear.scatter [tilespmem:s23], [sflag:$0x1], $0x2000, $0x38;
	[tilespmem:$0x1C880] =	vst v63  }
0x4f: {  	_ = 	snop  }
0x50: {  	[spmem:s20] =	stream.linear.scatter [tilespmem:s23], [sflag:$0x1], $0x2000, $0x38;
	[tilespmem:$0x1C880] =	vst v63  }
0x51: {  	_ =	swait.ge [sflag:s24], $0x2000  }
0x52: {  	[sflag:s24] =	ssyncset.done $0x0  }
0x53: {  	[sflag:s24] =	ssyncadd.s32 $0xFFFFE000  }
0x54: {  	_ =	swait.ge [sflag:s24], $0x2000  }
0x55: {  	[sflag:s24] =	ssyncset.done $0x0  }
0x56: {  	[sflag:s24] =	ssyncadd.s32 $0xFFFFE000  }
0x57: {  	_ =	swait.ge [sflag:s24], $0x2000  }
0x58: {  	[sflag:s24] =	ssyncset.done $0x0  }
0x59: {  	[sflag:s24] =	ssyncadd.s32 $0xFFFFE000  }
0x5a: {  	_ =	swait.ge [sflag:s24], $0x2000  }
0x5b: {  	[sflag:s24] =	ssyncset.done $0x0  }
0x5c: {  	[sflag:s24] =	ssyncadd.s32 $0xFFFFE000  }
0x5d: {  	_ =	swait.ge [sflag:s24], $0x2000  }
0x5e: {  	[sflag:s24] =	ssyncset.done $0x0  }
0x5f: {  	[sflag:s24] =	ssyncadd.s32 $0xFFFFE000  }
0x60: {  	_ =	swait.ge [sflag:s24], $0x2000  }
0x61: {  	[sflag:s24] =	ssyncset.done $0x0  }
0x62: {  	[sflag:s24] =	ssyncadd.s32 $0xFFFFE000  }
0x63: {  	_ =	swait.ge [sflag:s24], $0x2000  }
0x64: {  	[sflag:s24] =	ssyncset.done $0x0  }
0x65: {  	[sflag:s24] =	ssyncadd.s32 $0xFFFFE000  }
0x66: {  	_ =	swait.ge [sflag:s24], $0x2000  }
0x67: {  	[sflag:s24] =	ssyncset.done $0x0  }
0x68: {  	[sflag:s24] =	ssyncadd.s32 $0xFFFFE000  }
0x69: {  	_ =	swait.ge [sflag:s24], $0x2000  }
0x6a: {  	[sflag:s24] =	ssyncset.done $0x0  }
0x6b: {  	[sflag:s24] =	ssyncadd.s32 $0xFFFFE000  }
0x6c: {  	_ =	swait.ge [sflag:s24], $0x2000  }
0x6d: {  	[sflag:s24] =	ssyncset.done $0x0  }
0x6e: {  	s8 =	simm.s32 $0x0;
	s10 =	rddreg [dreg:$0x5];
	[sflag:s24] =	ssyncadd.s32 $0xFFFFE000  }
0x6f: {  	[tilespmem:s8], [sflag:$0x5] =	stream.linear.gather [hbm4b:s10+s8], $0x2760, $0x38;
	[tilespmem:$0x1C880] =	vst v63  }
0x70: {  	_ =	swait.ge [sflag:s25], $0x2760  }
0x71: {  	[sflag:s25] =	ssyncset.done $0x0  }
0x72: {  	[sflag:s25] =	ssyncadd.s32 $0xFFFFD8A0  }
0x73: {  	[bflag:$0x0] =	sbarrier.arrive $0xFFFF  }
0x74: {  	s11 =	rddreg [dreg:$0x6]  }
0x75: {  	[tilespmem:s26], [sflag:$0x3] =	stream.linear.gather [hbm4b:s11+s8], $0x60, $0x38;
	[tilespmem:$0x1C880] =	vst v63  }
0x76: {  	_ = 	snop  }
0x77: {  	[tilespmem:s23], [sflag:$0x1] =	stream.indirect.gather [hbm4b:s5+s28], $0x80, s8, s28, $0xb8;
	[tilespmem:$0x1C880] =	vst v63  }
0x78: {  	s22 =	rddreg [dreg:$0x7]  }
0x79: {  	[tilespmem:s29], [sflag:$0x4] =	stream.linear.gather [hbm4b:s22+s8], $0x60, $0x38;
	[tilespmem:$0x1C880] =	vst v63  }
0x7a: {  	s10 =	simm.s32 $0x120;
	s22 =	smov.u32 s7  }
0x7b: {  	[tilespmem:s30], [sflag:$0x2] =	stream.indirect.gather [hbm4b:s5+s28], $0x80, s28, s28, $0xb8;
	[tilespmem:$0x1C880] =	vst v63  }
.LBB2_4:
0x7c: {  	_ =	swait.ge [sflag:s31], $0x60  }
0x7d: {  	[sflag:s31] =	ssyncset.done $0x0  }
0x7e: {  	[sflag:s31] =	ssyncadd.s32 $0xFFFFFFA0  }
0x7f: {  	_ =	swait.ge [sflag:s24], $0x3000  }
0x80: {  	[sflag:s24] =	ssyncset.done $0x0  }
0x81: {  	[sflag:s24] =	ssyncadd.s32 $0xFFFFD000  }
0x82: {  	[spmem:s3] =	stream.indirect.scatter.add.f32 [tilespmem:s23], [sflag:$0x5], $0x80, s26, s28, $0xb8;
	[tilespmem:$0x1C880] =	vst v63  }
0x83: {  	_ =	swait.ge [sflag:s25], $0x3000  }
0x84: {  	s11 =	sshrl.u32 s22, $0x3;
	[sflag:s25] =	ssyncset.done $0x0  }
0x85: {  	s11 =	sadd.s32 s1, s11;
	[sflag:s25] =	ssyncadd.s32 $0xFFFFD000  }
0x86: {  	[tilespmem:s26], [sflag:$0x3] =	stream.linear.gather [hbm4b:s11+s4], $0x60, $0x38;
	[tilespmem:$0x1C880] =	vst v63  }
0x87: {  	s11 =	sadd.s32 $0xFFFFFFA0, s10  }
0x88: {  	[tilespmem:s23], [sflag:$0x1] =	stream.indirect.gather [hbm4b:s5+s28], $0x80, s11, s28, $0xb8;
	[tilespmem:$0x1C880] =	vst v63  }
0x89: {  	_ =	swait.ge [sflag:s0], $0x60  }
0x8a: {  	[sflag:s0] =	ssyncset.done $0x0  }
0x8b: {  	[sflag:s0] =	ssyncadd.s32 $0xFFFFFFA0  }
0x8c: {  	_ =	swait.ge [sflag:s2], $0x3000  }
0x8d: {  	p0 =	seq.s32 s8, $0x4C8;
	[sflag:s2] =	ssyncset.done $0x0  }
.Ltmp3:
0x8e: {  	[sflag:s2] =	ssyncadd.s32 $0xFFFFD000;
	(pc) =	sbr.rel @p0 .LBB2_6-.Ltmp3, $4  }
0x8f: {  	[spmem:s3] =	stream.indirect.scatter.add.f32 [tilespmem:s30], [sflag:$0x5], $0x80, s29, s28, $0xb8;
	[tilespmem:$0x1C880] =	vst v63  }
0x90: {  	_ =	swait.ge [sflag:s25], $0x3000  }
0x91: {  	[sflag:s25] =	ssyncset.done $0x0  }
0x92: {  	[sflag:s25] =	ssyncadd.s32 $0xFFFFD000  }
.Ltmp4:
0x93: {  	s11 =	sadd.s32 s8, s21;
	(pc) =	sbr.rel .LBB2_4-.Ltmp4, $4  }
0x94: {  	[tilespmem:s29], [sflag:$0x4] =	stream.linear.gather [hbm4b:s11+s4], $0x60, $0x38;
	[tilespmem:$0x1C880] =	vst v63  }
0x95: {  	_ = 	snop  }
0x96: {  	[tilespmem:s30], [sflag:$0x2] =	stream.indirect.gather [hbm4b:s5+s28], $0x80, s10, s28, $0xb8;
	[tilespmem:$0x1C880] =	vst v63  }
0x97: {  	s8 =	sadd.s32 $0x18, s8;
	s22 =	sadd.s32 $0xC0, s22;
	s10 =	sadd.s32 $0xC0, s10  }
.LBB2_7:
0x98: {  	_ =	sfence.sel $0x180000  }
0x99: {  	[bflag:$0x0] =	sbarrier.arrive $0xFFFF  }
0x9a: {  	_ =	strace $0x9000004A  }
0x9b: {  	s0 =	stileid.u32;
	[bflag:$0x2] =	sbarrier.arrive $0xFFFF  }
0x9c: {  	p0 =	sne.s32 s0, $0x0;
	s0 =	rddreg [dreg:$0x4]  }
0x9d: {  	s0 =	sadd.s32 @!p0 $0x100000, s0  }
0x9e: {  	[sflag:s0] =	ssyncadd.tile.s32 @!p0 $0x1;
	_ =	shalt  }
.Lfunc_end2:
_tile_overlayer_lowered:
.L_overlay_start_2:
0x9f: {  	(tag) =	ssettag $0x2  }
0xa0: {  	s0 =	rddreg [dreg:$0x0];
	s2 =	stileid.u32  }
0xa1: {  	s1 =	rddreg [dreg:$0x1];
	p0 =	sne.s32 s2, $0x0  }
0xa2: {  	s3 =	rddreg [dreg:$0x2];
	[bflag:$0x3] =	sbarrier.arrive $0xFFFF;
	s2 =	simm.s32 @!p0 $0x1C05  }
0xa3: {  	[timem:s3], [sflag:s2] =	dma.local @!p0 [hbm:s0], s1  }
0xa4: {  	s0 =	simm.s32 @!p0 $0x5  }
0xa5: {  	_ =	swait.ge @!p0 [sflag:s0], s1  }
0xa6: {  	s1 =	ssub.s32 @!p0 $0x0, s1;
	[sflag:s0] =	ssyncset.done @!p0 $0x0  }
0xa7: {  	[sflag:s0] =	ssyncadd.s32 @!p0 s1  }
0xa8: {  	[bflag:$0x3] =	sbarrier.arrive $0xFFFF  }
0xa9: {  	_ =	shalt  }

</sc_bundles>
